<compile_context>
chip_gen: v7x
topology: tpu7x:2x2x1
jax: 0.10.2.dev20260603
libtpu: 0.0.44.dev20260713+nightly
codegen_flags: <defaults>
</compile_context>

<pallas_src>
import functools

import jax
import jax.numpy as jnp
from jax import lax
from jax.experimental import pallas as pl
from jax.experimental.pallas import tpu as pltpu
from jax.experimental.pallas import tpu_sc as plsc

B = 128
N = 32768
KTOP = 8
L = 16
NCHUNK = N // L
NSTRIP = 16
CPS = NCHUNK // NSTRIP
UN = 16
NW = 32
ROWS_PER = B // NW

NEG = float("-inf")
BIG = 1 << 30


def _tree_max(vs):
    while len(vs) > 1:
        vs = [jnp.maximum(a, b) for a, b in zip(vs[::2], vs[1::2])]
    return vs[0]


SUBC = 16
NSUB = CPS // SUBC


def _topk_rows(w_hbm, out_hbm, rowbuf, outbuf, subs, semi, semo):
    cid = lax.axis_index("c")
    sid = lax.axis_index("s")
    wid = sid * 2 + cid
    lanes = lax.iota(jnp.int32, L)
    zeros16 = jnp.zeros((L,), jnp.float32)
    neg16 = jnp.full((L,), NEG, jnp.float32)
    big16 = jnp.full((L,), BIG, jnp.int32)
    zi16 = jnp.zeros((L,), jnp.int32)
    lane0 = lanes == 0
    sel8 = lanes < KTOP

    base_row = wid * ROWS_PER
    pltpu.async_copy(w_hbm.at[base_row], rowbuf.at[pl.ds(0, N)], semi)

    @plsc.parallel_loop(0, NCHUNK // UN)
    def _(i):
        for u in range(UN):
            outbuf[pl.ds((i * UN + u) * L, L)] = zeros16

    def process(roff, row, idx_prev):
        def strip_body(j, smax16):
            def sub_body(s, mx):
                base = roff + (j * CPS + s * SUBC) * L
                vs = [rowbuf[pl.ds(base + u * L, L)] for u in range(SUBC)]
                msub = _tree_max(vs)
                subs[pl.ds((j * NSUB + s) * L, L)] = msub
                return jnp.maximum(mx, msub)
            mx = plsc.parallel_loop(0, NSUB, carry=neg16)(sub_body)
            return jnp.where(lanes == j, jnp.max(mx), smax16)
        smax16 = lax.fori_loop(0, NSTRIP, strip_body, neg16)

        def ex_body(it, carry):
            vals8, idx8, smax16 = carry
            gmax = jnp.max(smax16)
            minj = jnp.min(jnp.where(smax16 == gmax, lanes, jnp.int32(99)))

            def sub_find(s, ms):
                sub = subs[pl.ds((minj * NSUB + s) * L, L)]
                return jnp.minimum(ms, jnp.where(sub == gmax, s, 99))
            ms = lax.fori_loop(0, NSUB, sub_find, jnp.full((L,), 99, jnp.int32))
            mins = jnp.min(ms)

            sbase = (minj * CPS + mins * SUBC) * L
            midx, cnt, mlt = big16, zi16, neg16
            for u in range(SUBC):
                v = rowbuf[pl.ds(roff + sbase + u * L, L)]
                eq = v == gmax
                midx = jnp.minimum(midx, jnp.where(eq, sbase + u * L + lanes, BIG))
                cnt = cnt + eq.astype(jnp.int32)
                mlt = jnp.maximum(mlt, jnp.where(eq, NEG, v))
            idx = jnp.min(midx)

            plsc.store_scatter(rowbuf, [jnp.full((L,), roff + idx)], neg16, mask=lane0)
            cnt_adj = cnt - (lanes == (idx & (L - 1))).astype(jnp.int32)
            newslice = jnp.where(cnt_adj > 0, gmax, mlt)
            subs[pl.ds((minj * NSUB + mins) * L, L)] = newslice

            def strip_max(s, mx):
                return jnp.maximum(mx, subs[pl.ds((minj * NSUB + s) * L, L)])
            mstrip = lax.fori_loop(0, NSUB, strip_max, neg16)
            smax16 = jnp.where(lanes == minj, jnp.max(mstrip), smax16)

            vals8 = jnp.where(lanes == it, gmax, vals8)
            idx8 = jnp.where(lanes == it, idx, idx8)
            return vals8, idx8, smax16

        vals8, idx8, _ = lax.fori_loop(
            0, KTOP, ex_body, (zeros16, zi16, smax16))

        l1 = jnp.sum(jnp.where(sel8, jnp.abs(vals8), 0.0))
        invv = 1.0 / jnp.maximum(jnp.full((L,), l1), jnp.float32(1e-12))

        @pl.when(row > base_row)
        def _():
            pltpu.make_async_copy(outbuf, out_hbm.at[row - 1], semo).wait()
            plsc.store_scatter(outbuf, [idx_prev], zeros16, mask=sel8)
        plsc.store_scatter(outbuf, [idx8], vals8 * invv, mask=sel8)
        pltpu.async_copy(outbuf, out_hbm.at[row], semo)
        return idx8

    def row_body(r, idx_prev):
        row = base_row + r
        roff = (r & 1) * N
        pltpu.make_async_copy(
            w_hbm.at[row], rowbuf.at[pl.ds(roff, N)], semi).wait()

        @pl.when(r < ROWS_PER - 1)
        def _():
            pltpu.async_copy(
                w_hbm.at[row + 1], rowbuf.at[pl.ds(N - roff, N)], semi)

        return process(roff, row, idx_prev)

    lax.fori_loop(0, ROWS_PER, row_body, zi16)
    pltpu.make_async_copy(outbuf, out_hbm.at[base_row + ROWS_PER - 1], semo).wait()


def kernel(weights, k):
    del k
    mesh = plsc.VectorSubcoreMesh(core_axis_name="c", subcore_axis_name="s")
    run = functools.partial(
        pl.kernel,
        mesh=mesh,
        compiler_params=pltpu.CompilerParams(needs_layout_passes=False),
        out_type=jax.ShapeDtypeStruct((B, N), jnp.float32),
        scratch_types=[
            pltpu.VMEM((2 * N,), jnp.float32),
            pltpu.VMEM((N,), jnp.float32),
            pltpu.VMEM((NSTRIP * NSUB * L,), jnp.float32),
            pltpu.SemaphoreType.DMA,
            pltpu.SemaphoreType.DMA,
        ],
    )(_topk_rows)
    return run(weights)

# --- scband reference (transcript-rebuilt; emitter-appended) ---
"""Pipeline reference for scband-final-model-1443109012144 (READ-ONLY COPY).

The authoritative reference and input builder live on the scoring server;
editing this copy changes nothing except your own understanding.
"""

import jax, jax.numpy as jnp
import numpy as np

B = 128
N = 32768
K = 8
TEMPERATURE = 1.0

def setup_inputs(seed: int = 0) -> dict:
    key = jax.random.key(seed)
    weights = jax.random.normal(key, (B, N), dtype=jnp.float32)
    return {"weights": weights, "k": K}

def reference(weights, k):
    # top_k_gating: keep top-k entries per row, zero out the rest, then L1-normalize
    scaled_weights = weights / TEMPERATURE
    top_k_values, top_k_indices = jax.lax.top_k(scaled_weights, K)
    # scatter ones into a zero mask at the top-k positions (scatter-overwrite)
    batch_indices = jnp.arange(weights.shape[0])[:, None]
    slot_values = jnp.where(jnp.arange(K) < k, 1.0, 0.0)
    scatter_values = jnp.broadcast_to(slot_values[None, :], top_k_indices.shape)
    masked_weights = jnp.zeros_like(weights).at[batch_indices, top_k_indices].set(scatter_values)
    result = weights * masked_weights
    # F.normalize(result, p=1, dim=-1): x / max(||x||_1, eps)
    l1 = jnp.sum(jnp.abs(result), axis=-1, keepdims=True)
    result = result / jnp.maximum(l1, 1e-12)
    return result

if __name__ == "__main__":
    import jax
    _d = setup_inputs()
    print(jax.jit(kernel)(*tuple(_d.values())))

</pallas_src>

<mosaic_0001>
#map = affine_map<(d0, d1) -> (0, 0)>
module attributes {stable_mosaic.version = 14 : i64} {
  func.func @_topk_rows(%arg0: i32, %arg1: i32, %arg2: memref<128x32768xf32, #tpu.memory_space<hbm>>, %arg3: memref<128x32768xf32, #tpu.memory_space<hbm>>, %arg4: memref<65536xf32, #tpu.memory_space<vmem>>, %arg5: memref<32768xf32, #tpu.memory_space<vmem>>, %arg6: memref<2048xf32, #tpu.memory_space<vmem>>, %arg7: memref<!tpu.dma_semaphore, #tpu.memory_space<semaphore_mem>>, %arg8: memref<!tpu.dma_semaphore, #tpu.memory_space<semaphore_mem>>) attributes {dimension_semantics = [#tpu.dimension_semantics<core_parallel>, #tpu.dimension_semantics<subcore_parallel>], iteration_bounds = array<i64: 2, 16>, scalar_prefetch = 0 : i64, scratch_operands = 5 : i64, tpu.core_type = #tpu.core_type<sc_vector_subcore>, window_params = [{transform_indices = #map}, {transform_indices = #map}]} {
    %mul3A = arith.constant 2 : i32
    %mul3A_0 = arith.muli %arg1, %mul3A : i32
    %add3A = arith.addi %mul3A_0, %arg0 : i32
    %iota3A = tpu.iota {dimensions = array<i32: 0>} : vector<16xi32>
    %broadcast_in_dim3A = arith.constant 0.000000e+00 : f32
    %broadcast_in_dim3A_1 = vector.broadcast %broadcast_in_dim3A : f32 to vector<16xf32>
    %broadcast_in_dim3A_2 = arith.constant 0xFF800000 : f32
    %broadcast_in_dim3A_3 = vector.broadcast %broadcast_in_dim3A_2 : f32 to vector<16xf32>
    %broadcast_in_dim3A_4 = arith.constant 1073741824 : i32
    %broadcast_in_dim3A_5 = vector.broadcast %broadcast_in_dim3A_4 : i32 to vector<16xi32>
    %broadcast_in_dim3A_6 = arith.constant 0 : i32
    %broadcast_in_dim3A_7 = vector.broadcast %broadcast_in_dim3A_6 : i32 to vector<16xi32>
    %eq3A = arith.constant 0 : i32
    %eq3A_8 = vector.broadcast %eq3A : i32 to vector<16xi32>
    %eq3A_9 = arith.cmpi eq, %iota3A, %eq3A_8 : vector<16xi32>
    %lt3A = arith.constant 8 : i32
    %lt3A_10 = vector.broadcast %lt3A : i32 to vector<16xi32>
    %lt3A_11 = arith.cmpi slt, %iota3A, %lt3A_10 : vector<16xi32>
    %mul3A_12 = arith.constant 4 : i32
    %mul3A_13 = arith.muli %add3A, %mul3A_12 : i32
    %dma_start3A = arith.constant 0 : i32
    %dma_start3A_14 = tpu.memref_slice %arg4[%dma_start3A] : memref<65536xf32, #tpu.memory_space<vmem>> -> memref<32768xf32, #tpu.memory_space<vmem>>
    %dma_start3A_15 = arith.constant 0 : i32
    %dma_start3A_16 = tpu.memref_slice %arg2[%mul3A_13, %dma_start3A_15] : memref<128x32768xf32, #tpu.memory_space<hbm>> -> memref<1x32768xf32, #tpu.memory_space<hbm>>
    %dma_start3A_17 = tpu.memref_squeeze %dma_start3A_16 : memref<1x32768xf32, #tpu.memory_space<hbm>> -> memref<32768xf32, #tpu.memory_space<hbm>>
    %dma_start3A_18 = arith.constant 0 : i32
    %dma_start3A_19 = tpu.memref_slice %arg4[%dma_start3A_18] : memref<65536xf32, #tpu.memory_space<vmem>> -> memref<32768xf32, #tpu.memory_space<vmem>>
    %dma_start3A_20 = arith.constant 0 : i32
    %dma_start3A_21 = tpu.memref_slice %arg2[%mul3A_13, %dma_start3A_20] : memref<128x32768xf32, #tpu.memory_space<hbm>> -> memref<1x32768xf32, #tpu.memory_space<hbm>>
    %dma_start3A_22 = tpu.memref_squeeze %dma_start3A_21 : memref<1x32768xf32, #tpu.memory_space<hbm>> -> memref<32768xf32, #tpu.memory_space<hbm>>
    tpu.enqueue_dma source(%dma_start3A_22 : memref<32768xf32, #tpu.memory_space<hbm>>) target(%dma_start3A_19 : memref<32768xf32, #tpu.memory_space<vmem>>) target_semaphore(%arg7 : memref<!tpu.dma_semaphore, #tpu.memory_space<semaphore_mem>>)
    %parallel_loop3A = arith.constant 0 : i32
    %parallel_loop3A_23 = arith.constant 128 : i32
    %parallel_loop3A_24 = arith.constant 1 : i32
    scf.for %parallel_loop3A_38 = %parallel_loop3A to %parallel_loop3A_23 step %parallel_loop3A_24  : i32 {
      %parallel_loop3A_39 = arith.constant 16 : i32
      %parallel_loop3A_40 = arith.muli %parallel_loop3A_38, %parallel_loop3A_39 : i32
      %parallel_loop3A_41 = arith.constant 0 : i32
      %parallel_loop3A_42 = arith.addi %parallel_loop3A_40, %parallel_loop3A_41 : i32
      %parallel_loop3A_43 = arith.constant 16 : i32
      %parallel_loop3A_44 = arith.muli %parallel_loop3A_42, %parallel_loop3A_43 : i32
      %parallel_loop3A_45 = arith.index_cast %parallel_loop3A_44 : i32 to index
      %parallel_loop3A_46 = tpu.vector_load %arg5[%parallel_loop3A_45] {strides = array<i32>} : memref<32768xf32, #tpu.memory_space<vmem>>, vector<16xf32>,
      tpu.vector_store %arg5[%parallel_loop3A_45], %broadcast_in_dim3A_1 {strides = array<i32>} : memref<32768xf32, #tpu.memory_space<vmem>>, vector<16xf32>,
      %parallel_loop3A_47 = arith.constant 16 : i32
      %parallel_loop3A_48 = arith.muli %parallel_loop3A_38, %parallel_loop3A_47 : i32
      %parallel_loop3A_49 = arith.constant 1 : i32
      %parallel_loop3A_50 = arith.addi %parallel_loop3A_48, %parallel_loop3A_49 : i32
      %parallel_loop3A_51 = arith.constant 16 : i32
      %parallel_loop3A_52 = arith.muli %parallel_loop3A_50, %parallel_loop3A_51 : i32
      %parallel_loop3A_53 = arith.index_cast %parallel_loop3A_52 : i32 to index
      %parallel_loop3A_54 = tpu.vector_load %arg5[%parallel_loop3A_53] {strides = array<i32>} : memref<32768xf32, #tpu.memory_space<vmem>>, vector<16xf32>,
      tpu.vector_store %arg5[%parallel_loop3A_53], %broadcast_in_dim3A_1 {strides = array<i32>} : memref<32768xf32, #tpu.memory_space<vmem>>, vector<16xf32>,
      %parallel_loop3A_55 = arith.constant 16 : i32
      %parallel_loop3A_56 = arith.muli %parallel_loop3A_38, %parallel_loop3A_55 : i32
      %parallel_loop3A_57 = arith.constant 2 : i32
      %parallel_loop3A_58 = arith.addi %parallel_loop3A_56, %parallel_loop3A_57 : i32
      %parallel_loop3A_59 = arith.constant 16 : i32
      %parallel_loop3A_60 = arith.muli %parallel_loop3A_58, %parallel_loop3A_59 : i32
      %parallel_loop3A_61 = arith.index_cast %parallel_loop3A_60 : i32 to index
      %parallel_loop3A_62 = tpu.vector_load %arg5[%parallel_loop3A_61] {strides = array<i32>} : memref<32768xf32, #tpu.memory_space<vmem>>, vector<16xf32>,
      tpu.vector_store %arg5[%parallel_loop3A_61], %broadcast_in_dim3A_1 {strides = array<i32>} : memref<32768xf32, #tpu.memory_space<vmem>>, vector<16xf32>,
      %parallel_loop3A_63 = arith.constant 16 : i32
      %parallel_loop3A_64 = arith.muli %parallel_loop3A_38, %parallel_loop3A_63 : i32
      %parallel_loop3A_65 = arith.constant 3 : i32
      %parallel_loop3A_66 = arith.addi %parallel_loop3A_64, %parallel_loop3A_65 : i32
      %parallel_loop3A_67 = arith.constant 16 : i32
      %parallel_loop3A_68 = arith.muli %parallel_loop3A_66, %parallel_loop3A_67 : i32
      %parallel_loop3A_69 = arith.index_cast %parallel_loop3A_68 : i32 to index
      %parallel_loop3A_70 = tpu.vector_load %arg5[%parallel_loop3A_69] {strides = array<i32>} : memref<32768xf32, #tpu.memory_space<vmem>>, vector<16xf32>,
      tpu.vector_store %arg5[%parallel_loop3A_69], %broadcast_in_dim3A_1 {strides = array<i32>} : memref<32768xf32, #tpu.memory_space<vmem>>, vector<16xf32>,
      %parallel_loop3A_71 = arith.constant 16 : i32
      %parallel_loop3A_72 = arith.muli %parallel_loop3A_38, %parallel_loop3A_71 : i32
      %parallel_loop3A_73 = arith.constant 4 : i32
      %parallel_loop3A_74 = arith.addi %parallel_loop3A_72, %parallel_loop3A_73 : i32
      %parallel_loop3A_75 = arith.constant 16 : i32
      %parallel_loop3A_76 = arith.muli %parallel_loop3A_74, %parallel_loop3A_75 : i32
      %parallel_loop3A_77 = arith.index_cast %parallel_loop3A_76 : i32 to index
      %parallel_loop3A_78 = tpu.vector_load %arg5[%parallel_loop3A_77] {strides = array<i32>} : memref<32768xf32, #tpu.memory_space<vmem>>, vector<16xf32>,
      tpu.vector_store %arg5[%parallel_loop3A_77], %broadcast_in_dim3A_1 {strides = array<i32>} : memref<32768xf32, #tpu.memory_space<vmem>>, vector<16xf32>,
      %parallel_loop3A_79 = arith.constant 16 : i32
      %parallel_loop3A_80 = arith.muli %parallel_loop3A_38, %parallel_loop3A_79 : i32
      %parallel_loop3A_81 = arith.constant 5 : i32
      %parallel_loop3A_82 = arith.addi %parallel_loop3A_80, %parallel_loop3A_81 : i32
      %parallel_loop3A_83 = arith.constant 16 : i32
      %parallel_loop3A_84 = arith.muli %parallel_loop3A_82, %parallel_loop3A_83 : i32
      %parallel_loop3A_85 = arith.index_cast %parallel_loop3A_84 : i32 to index
      %parallel_loop3A_86 = tpu.vector_load %arg5[%parallel_loop3A_85] {strides = array<i32>} : memref<32768xf32, #tpu.memory_space<vmem>>, vector<16xf32>,
      tpu.vector_store %arg5[%parallel_loop3A_85], %broadcast_in_dim3A_1 {strides = array<i32>} : memref<32768xf32, #tpu.memory_space<vmem>>, vector<16xf32>,
      %parallel_loop3A_87 = arith.constant 16 : i32
      %parallel_loop3A_88 = arith.muli %parallel_loop3A_38, %parallel_loop3A_87 : i32
      %parallel_loop3A_89 = arith.constant 6 : i32
      %parallel_loop3A_90 = arith.addi %parallel_loop3A_88, %parallel_loop3A_89 : i32
      %parallel_loop3A_91 = arith.constant 16 : i32
      %parallel_loop3A_92 = arith.muli %parallel_loop3A_90, %parallel_loop3A_91 : i32
      %parallel_loop3A_93 = arith.index_cast %parallel_loop3A_92 : i32 to index
      %parallel_loop3A_94 = tpu.vector_load %arg5[%parallel_loop3A_93] {strides = array<i32>} : memref<32768xf32, #tpu.memory_space<vmem>>, vector<16xf32>,
      tpu.vector_store %arg5[%parallel_loop3A_93], %broadcast_in_dim3A_1 {strides = array<i32>} : memref<32768xf32, #tpu.memory_space<vmem>>, vector<16xf32>,
      %parallel_loop3A_95 = arith.constant 16 : i32
      %parallel_loop3A_96 = arith.muli %parallel_loop3A_38, %parallel_loop3A_95 : i32
      %parallel_loop3A_97 = arith.constant 7 : i32
      %parallel_loop3A_98 = arith.addi %parallel_loop3A_96, %parallel_loop3A_97 : i32
      %parallel_loop3A_99 = arith.constant 16 : i32
      %parallel_loop3A_100 = arith.muli %parallel_loop3A_98, %parallel_loop3A_99 : i32
      %parallel_loop3A_101 = arith.index_cast %parallel_loop3A_100 : i32 to index
      %parallel_loop3A_102 = tpu.vector_load %arg5[%parallel_loop3A_101] {strides = array<i32>} : memref<32768xf32, #tpu.memory_space<vmem>>, vector<16xf32>,
      tpu.vector_store %arg5[%parallel_loop3A_101], %broadcast_in_dim3A_1 {strides = array<i32>} : memref<32768xf32, #tpu.memory_space<vmem>>, vector<16xf32>,
      %parallel_loop3A_103 = arith.constant 16 : i32
      %parallel_loop3A_104 = arith.muli %parallel_loop3A_38, %parallel_loop3A_103 : i32
      %parallel_loop3A_105 = arith.constant 8 : i32
      %parallel_loop3A_106 = arith.addi %parallel_loop3A_104, %parallel_loop3A_105 : i32
      %parallel_loop3A_107 = arith.constant 16 : i32
      %parallel_loop3A_108 = arith.muli %parallel_loop3A_106, %parallel_loop3A_107 : i32
      %parallel_loop3A_109 = arith.index_cast %parallel_loop3A_108 : i32 to index
      %parallel_loop3A_110 = tpu.vector_load %arg5[%parallel_loop3A_109] {strides = array<i32>} : memref<32768xf32, #tpu.memory_space<vmem>>, vector<16xf32>,
      tpu.vector_store %arg5[%parallel_loop3A_109], %broadcast_in_dim3A_1 {strides = array<i32>} : memref<32768xf32, #tpu.memory_space<vmem>>, vector<16xf32>,
      %parallel_loop3A_111 = arith.constant 16 : i32
      %parallel_loop3A_112 = arith.muli %parallel_loop3A_38, %parallel_loop3A_111 : i32
      %parallel_loop3A_113 = arith.constant 9 : i32
      %parallel_loop3A_114 = arith.addi %parallel_loop3A_112, %parallel_loop3A_113 : i32
      %parallel_loop3A_115 = arith.constant 16 : i32
      %parallel_loop3A_116 = arith.muli %parallel_loop3A_114, %parallel_loop3A_115 : i32
      %parallel_loop3A_117 = arith.index_cast %parallel_loop3A_116 : i32 to index
      %parallel_loop3A_118 = tpu.vector_load %arg5[%parallel_loop3A_117] {strides = array<i32>} : memref<32768xf32, #tpu.memory_space<vmem>>, vector<16xf32>,
      tpu.vector_store %arg5[%parallel_loop3A_117], %broadcast_in_dim3A_1 {strides = array<i32>} : memref<32768xf32, #tpu.memory_space<vmem>>, vector<16xf32>,
      %parallel_loop3A_119 = arith.constant 16 : i32
      %parallel_loop3A_120 = arith.muli %parallel_loop3A_38, %parallel_loop3A_119 : i32
      %parallel_loop3A_121 = arith.constant 10 : i32
      %parallel_loop3A_122 = arith.addi %parallel_loop3A_120, %parallel_loop3A_121 : i32
      %parallel_loop3A_123 = arith.constant 16 : i32
      %parallel_loop3A_124 = arith.muli %parallel_loop3A_122, %parallel_loop3A_123 : i32
      %parallel_loop3A_125 = arith.index_cast %parallel_loop3A_124 : i32 to index
      %parallel_loop3A_126 = tpu.vector_load %arg5[%parallel_loop3A_125] {strides = array<i32>} : memref<32768xf32, #tpu.memory_space<vmem>>, vector<16xf32>,
      tpu.vector_store %arg5[%parallel_loop3A_125], %broadcast_in_dim3A_1 {strides = array<i32>} : memref<32768xf32, #tpu.memory_space<vmem>>, vector<16xf32>,
      %parallel_loop3A_127 = arith.constant 16 : i32
      %parallel_loop3A_128 = arith.muli %parallel_loop3A_38, %parallel_loop3A_127 : i32
      %parallel_loop3A_129 = arith.constant 11 : i32
      %parallel_loop3A_130 = arith.addi %parallel_loop3A_128, %parallel_loop3A_129 : i32
      %parallel_loop3A_131 = arith.constant 16 : i32
      %parallel_loop3A_132 = arith.muli %parallel_loop3A_130, %parallel_loop3A_131 : i32
      %parallel_loop3A_133 = arith.index_cast %parallel_loop3A_132 : i32 to index
      %parallel_loop3A_134 = tpu.vector_load %arg5[%parallel_loop3A_133] {strides = array<i32>} : memref<32768xf32, #tpu.memory_space<vmem>>, vector<16xf32>,
      tpu.vector_store %arg5[%parallel_loop3A_133], %broadcast_in_dim3A_1 {strides = array<i32>} : memref<32768xf32, #tpu.memory_space<vmem>>, vector<16xf32>,
      %parallel_loop3A_135 = arith.constant 16 : i32
      %parallel_loop3A_136 = arith.muli %parallel_loop3A_38, %parallel_loop3A_135 : i32
      %parallel_loop3A_137 = arith.constant 12 : i32
      %parallel_loop3A_138 = arith.addi %parallel_loop3A_136, %parallel_loop3A_137 : i32
      %parallel_loop3A_139 = arith.constant 16 : i32
      %parallel_loop3A_140 = arith.muli %parallel_loop3A_138, %parallel_loop3A_139 : i32
      %parallel_loop3A_141 = arith.index_cast %parallel_loop3A_140 : i32 to index
      %parallel_loop3A_142 = tpu.vector_load %arg5[%parallel_loop3A_141] {strides = array<i32>} : memref<32768xf32, #tpu.memory_space<vmem>>, vector<16xf32>,
      tpu.vector_store %arg5[%parallel_loop3A_141], %broadcast_in_dim3A_1 {strides = array<i32>} : memref<32768xf32, #tpu.memory_space<vmem>>, vector<16xf32>,
      %parallel_loop3A_143 = arith.constant 16 : i32
      %parallel_loop3A_144 = arith.muli %parallel_loop3A_38, %parallel_loop3A_143 : i32
      %parallel_loop3A_145 = arith.constant 13 : i32
      %parallel_loop3A_146 = arith.addi %parallel_loop3A_144, %parallel_loop3A_145 : i32
      %parallel_loop3A_147 = arith.constant 16 : i32
      %parallel_loop3A_148 = arith.muli %parallel_loop3A_146, %parallel_loop3A_147 : i32
      %parallel_loop3A_149 = arith.index_cast %parallel_loop3A_148 : i32 to index
      %parallel_loop3A_150 = tpu.vector_load %arg5[%parallel_loop3A_149] {strides = array<i32>} : memref<32768xf32, #tpu.memory_space<vmem>>, vector<16xf32>,
      tpu.vector_store %arg5[%parallel_loop3A_149], %broadcast_in_dim3A_1 {strides = array<i32>} : memref<32768xf32, #tpu.memory_space<vmem>>, vector<16xf32>,
      %parallel_loop3A_151 = arith.constant 16 : i32
      %parallel_loop3A_152 = arith.muli %parallel_loop3A_38, %parallel_loop3A_151 : i32
      %parallel_loop3A_153 = arith.constant 14 : i32
      %parallel_loop3A_154 = arith.addi %parallel_loop3A_152, %parallel_loop3A_153 : i32
      %parallel_loop3A_155 = arith.constant 16 : i32
      %parallel_loop3A_156 = arith.muli %parallel_loop3A_154, %parallel_loop3A_155 : i32
      %parallel_loop3A_157 = arith.index_cast %parallel_loop3A_156 : i32 to index
      %parallel_loop3A_158 = tpu.vector_load %arg5[%parallel_loop3A_157] {strides = array<i32>} : memref<32768xf32, #tpu.memory_space<vmem>>, vector<16xf32>,
      tpu.vector_store %arg5[%parallel_loop3A_157], %broadcast_in_dim3A_1 {strides = array<i32>} : memref<32768xf32, #tpu.memory_space<vmem>>, vector<16xf32>,
      %parallel_loop3A_159 = arith.constant 16 : i32
      %parallel_loop3A_160 = arith.muli %parallel_loop3A_38, %parallel_loop3A_159 : i32
      %parallel_loop3A_161 = arith.constant 15 : i32
      %parallel_loop3A_162 = arith.addi %parallel_loop3A_160, %parallel_loop3A_161 : i32
      %parallel_loop3A_163 = arith.constant 16 : i32
      %parallel_loop3A_164 = arith.muli %parallel_loop3A_162, %parallel_loop3A_163 : i32
      %parallel_loop3A_165 = arith.index_cast %parallel_loop3A_164 : i32 to index
      %parallel_loop3A_166 = tpu.vector_load %arg5[%parallel_loop3A_165] {strides = array<i32>} : memref<32768xf32, #tpu.memory_space<vmem>>, vector<16xf32>,
      tpu.vector_store %arg5[%parallel_loop3A_165], %broadcast_in_dim3A_1 {strides = array<i32>} : memref<32768xf32, #tpu.memory_space<vmem>>, vector<16xf32>,
    } {sc.loop_unroll_factor = 1 : i64, sc.parallel_access}
    %scan3A = arith.constant 0 : i32
    %scan3A_25 = arith.constant 4 : i32
    %scan3A_26 = arith.addi %scan3A, %scan3A_25 : i32
    %scan3A_27 = arith.constant 1 : i32
    %scan3A_28 = scf.for %scan3A_38 = %scan3A to %scan3A_26 step %scan3A_27 iter_args(%scan3A_39 = %broadcast_in_dim3A_7) -> (vector<16xi32>)  : i32 {
      %add3A_40 = arith.addi %mul3A_13, %scan3A_38 : i32
      %and3A = arith.constant 1 : i32
      %and3A_41 = arith.andi %scan3A_38, %and3A : i32
      %mul3A_42 = arith.constant 32768 : i32
      %mul3A_43 = arith.muli %and3A_41, %mul3A_42 : i32
      %dma_wait3A_44 = tpu.memref_slice %arg4[%mul3A_43] : memref<65536xf32, #tpu.memory_space<vmem>> -> memref<32768xf32, #tpu.memory_space<vmem>>
      %dma_wait3A_45 = arith.constant 0 : i32
      %dma_wait3A_46 = tpu.memref_slice %arg2[%add3A_40, %dma_wait3A_45] : memref<128x32768xf32, #tpu.memory_space<hbm>> -> memref<1x32768xf32, #tpu.memory_space<hbm>>
      %dma_wait3A_47 = tpu.memref_squeeze %dma_wait3A_46 : memref<1x32768xf32, #tpu.memory_space<hbm>> -> memref<32768xf32, #tpu.memory_space<hbm>>
      %dma_wait3A_48 = tpu.memref_slice %arg4[%mul3A_43] : memref<65536xf32, #tpu.memory_space<vmem>> -> memref<32768xf32, #tpu.memory_space<vmem>>
      %dma_wait3A_49 = arith.constant 0 : i32
      %dma_wait3A_50 = tpu.memref_slice %arg2[%add3A_40, %dma_wait3A_49] : memref<128x32768xf32, #tpu.memory_space<hbm>> -> memref<1x32768xf32, #tpu.memory_space<hbm>>
      %dma_wait3A_51 = tpu.memref_squeeze %dma_wait3A_50 : memref<1x32768xf32, #tpu.memory_space<hbm>> -> memref<32768xf32, #tpu.memory_space<hbm>>
      tpu.wait_dma2 semaphore(%arg7 : memref<!tpu.dma_semaphore, #tpu.memory_space<semaphore_mem>>) src(%dma_wait3A_51 : memref<32768xf32, #tpu.memory_space<hbm>>) dst(%dma_wait3A_48 : memref<32768xf32, #tpu.memory_space<vmem>>)
      %lt3A_52 = arith.constant 3 : i32
      %lt3A_53 = arith.cmpi slt, %scan3A_38, %lt3A_52 : i32
      %convert_element_type3A = arith.extui %lt3A_53 : i1 to i32
      %cond3A = arith.constant 0 : i32
      %cond3A_54 = arith.cmpi ne, %convert_element_type3A, %cond3A : i32
      scf.if %cond3A_54 {
        %add3A_86 = arith.constant 1 : i32
        %add3A_87 = arith.addi %add3A_40, %add3A_86 : i32
        %sub3A_88 = arith.constant 32768 : i32
        %sub3A_89 = arith.subi %sub3A_88, %mul3A_43 : i32
        %dma_start3A_90 = tpu.memref_slice %arg4[%sub3A_89] : memref<65536xf32, #tpu.memory_space<vmem>> -> memref<32768xf32, #tpu.memory_space<vmem>>
        %dma_start3A_91 = arith.constant 0 : i32
        %dma_start3A_92 = tpu.memref_slice %arg2[%add3A_87, %dma_start3A_91] : memref<128x32768xf32, #tpu.memory_space<hbm>> -> memref<1x32768xf32, #tpu.memory_space<hbm>>
        %dma_start3A_93 = tpu.memref_squeeze %dma_start3A_92 : memref<1x32768xf32, #tpu.memory_space<hbm>> -> memref<32768xf32, #tpu.memory_space<hbm>>
        %dma_start3A_94 = tpu.memref_slice %arg4[%sub3A_89] : memref<65536xf32, #tpu.memory_space<vmem>> -> memref<32768xf32, #tpu.memory_space<vmem>>
        %dma_start3A_95 = arith.constant 0 : i32
        %dma_start3A_96 = tpu.memref_slice %arg2[%add3A_87, %dma_start3A_95] : memref<128x32768xf32, #tpu.memory_space<hbm>> -> memref<1x32768xf32, #tpu.memory_space<hbm>>
        %dma_start3A_97 = tpu.memref_squeeze %dma_start3A_96 : memref<1x32768xf32, #tpu.memory_space<hbm>> -> memref<32768xf32, #tpu.memory_space<hbm>>
        tpu.enqueue_dma source(%dma_start3A_97 : memref<32768xf32, #tpu.memory_space<hbm>>) target(%dma_start3A_94 : memref<32768xf32, #tpu.memory_space<vmem>>) target_semaphore(%arg7 : memref<!tpu.dma_semaphore, #tpu.memory_space<semaphore_mem>>)
      } else {
      }
      %scan3A_55 = arith.constant 0 : i32
      %scan3A_56 = arith.constant 16 : i32
      %scan3A_57 = arith.addi %scan3A_55, %scan3A_56 : i32
      %scan3A_58 = arith.constant 1 : i32
      %scan3A_59 = scf.for %scan3A_86 = %scan3A_55 to %scan3A_57 step %scan3A_58 iter_args(%scan3A_87 = %broadcast_in_dim3A_3) -> (vector<16xf32>)  : i32 {
        %parallel_loop3A_88 = arith.constant 0 : i32
        %parallel_loop3A_89 = arith.constant 8 : i32
        %parallel_loop3A_90 = arith.constant 1 : i32
        %parallel_loop3A_91 = scf.for %parallel_loop3A_99 = %parallel_loop3A_88 to %parallel_loop3A_89 step %parallel_loop3A_90 iter_args(%parallel_loop3A_100 = %broadcast_in_dim3A_3) -> (vector<16xf32>)  : i32 {
          %parallel_loop3A_101 = arith.constant 128 : i32
          %parallel_loop3A_102 = arith.muli %scan3A_86, %parallel_loop3A_101 : i32
          %parallel_loop3A_103 = arith.constant 16 : i32
          %parallel_loop3A_104 = arith.muli %parallel_loop3A_99, %parallel_loop3A_103 : i32
          %parallel_loop3A_105 = arith.addi %parallel_loop3A_102, %parallel_loop3A_104 : i32
          %parallel_loop3A_106 = arith.constant 16 : i32
          %parallel_loop3A_107 = arith.muli %parallel_loop3A_105, %parallel_loop3A_106 : i32
          %parallel_loop3A_108 = arith.addi %mul3A_43, %parallel_loop3A_107 : i32
          %parallel_loop3A_109 = arith.constant 0 : i32
          %parallel_loop3A_110 = arith.addi %parallel_loop3A_108, %parallel_loop3A_109 : i32
          %parallel_loop3A_111 = arith.index_cast %parallel_loop3A_110 : i32 to index
          %parallel_loop3A_112 = tpu.vector_load %arg4[%parallel_loop3A_111] {strides = array<i32>} : memref<65536xf32, #tpu.memory_space<vmem>>, vector<16xf32>,
          %parallel_loop3A_113 = arith.constant 16 : i32
          %parallel_loop3A_114 = arith.addi %parallel_loop3A_108, %parallel_loop3A_113 : i32
          %parallel_loop3A_115 = arith.index_cast %parallel_loop3A_114 : i32 to index
          %parallel_loop3A_116 = tpu.vector_load %arg4[%parallel_loop3A_115] {strides = array<i32>} : memref<65536xf32, #tpu.memory_space<vmem>>, vector<16xf32>,
          %parallel_loop3A_117 = arith.constant 32 : i32
          %parallel_loop3A_118 = arith.addi %parallel_loop3A_108, %parallel_loop3A_117 : i32
          %parallel_loop3A_119 = arith.index_cast %parallel_loop3A_118 : i32 to index
          %parallel_loop3A_120 = tpu.vector_load %arg4[%parallel_loop3A_119] {strides = array<i32>} : memref<65536xf32, #tpu.memory_space<vmem>>, vector<16xf32>,
          %parallel_loop3A_121 = arith.constant 48 : i32
          %parallel_loop3A_122 = arith.addi %parallel_loop3A_108, %parallel_loop3A_121 : i32
          %parallel_loop3A_123 = arith.index_cast %parallel_loop3A_122 : i32 to index
          %parallel_loop3A_124 = tpu.vector_load %arg4[%parallel_loop3A_123] {strides = array<i32>} : memref<65536xf32, #tpu.memory_space<vmem>>, vector<16xf32>,
          %parallel_loop3A_125 = arith.constant 64 : i32
          %parallel_loop3A_126 = arith.addi %parallel_loop3A_108, %parallel_loop3A_125 : i32
          %parallel_loop3A_127 = arith.index_cast %parallel_loop3A_126 : i32 to index
          %parallel_loop3A_128 = tpu.vector_load %arg4[%parallel_loop3A_127] {strides = array<i32>} : memref<65536xf32, #tpu.memory_space<vmem>>, vector<16xf32>,
          %parallel_loop3A_129 = arith.constant 80 : i32
          %parallel_loop3A_130 = arith.addi %parallel_loop3A_108, %parallel_loop3A_129 : i32
          %parallel_loop3A_131 = arith.index_cast %parallel_loop3A_130 : i32 to index
          %parallel_loop3A_132 = tpu.vector_load %arg4[%parallel_loop3A_131] {strides = array<i32>} : memref<65536xf32, #tpu.memory_space<vmem>>, vector<16xf32>,
          %parallel_loop3A_133 = arith.constant 96 : i32
          %parallel_loop3A_134 = arith.addi %parallel_loop3A_108, %parallel_loop3A_133 : i32
          %parallel_loop3A_135 = arith.index_cast %parallel_loop3A_134 : i32 to index
          %parallel_loop3A_136 = tpu.vector_load %arg4[%parallel_loop3A_135] {strides = array<i32>} : memref<65536xf32, #tpu.memory_space<vmem>>, vector<16xf32>,
          %parallel_loop3A_137 = arith.constant 112 : i32
          %parallel_loop3A_138 = arith.addi %parallel_loop3A_108, %parallel_loop3A_137 : i32
          %parallel_loop3A_139 = arith.index_cast %parallel_loop3A_138 : i32 to index
          %parallel_loop3A_140 = tpu.vector_load %arg4[%parallel_loop3A_139] {strides = array<i32>} : memref<65536xf32, #tpu.memory_space<vmem>>, vector<16xf32>,
          %parallel_loop3A_141 = arith.constant 128 : i32
          %parallel_loop3A_142 = arith.addi %parallel_loop3A_108, %parallel_loop3A_141 : i32
          %parallel_loop3A_143 = arith.index_cast %parallel_loop3A_142 : i32 to index
          %parallel_loop3A_144 = tpu.vector_load %arg4[%parallel_loop3A_143] {strides = array<i32>} : memref<65536xf32, #tpu.memory_space<vmem>>, vector<16xf32>,
          %parallel_loop3A_145 = arith.constant 144 : i32
          %parallel_loop3A_146 = arith.addi %parallel_loop3A_108, %parallel_loop3A_145 : i32
          %parallel_loop3A_147 = arith.index_cast %parallel_loop3A_146 : i32 to index
          %parallel_loop3A_148 = tpu.vector_load %arg4[%parallel_loop3A_147] {strides = array<i32>} : memref<65536xf32, #tpu.memory_space<vmem>>, vector<16xf32>,
          %parallel_loop3A_149 = arith.constant 160 : i32
          %parallel_loop3A_150 = arith.addi %parallel_loop3A_108, %parallel_loop3A_149 : i32
          %parallel_loop3A_151 = arith.index_cast %parallel_loop3A_150 : i32 to index
          %parallel_loop3A_152 = tpu.vector_load %arg4[%parallel_loop3A_151] {strides = array<i32>} : memref<65536xf32, #tpu.memory_space<vmem>>, vector<16xf32>,
          %parallel_loop3A_153 = arith.constant 176 : i32
          %parallel_loop3A_154 = arith.addi %parallel_loop3A_108, %parallel_loop3A_153 : i32
          %parallel_loop3A_155 = arith.index_cast %parallel_loop3A_154 : i32 to index
          %parallel_loop3A_156 = tpu.vector_load %arg4[%parallel_loop3A_155] {strides = array<i32>} : memref<65536xf32, #tpu.memory_space<vmem>>, vector<16xf32>,
          %parallel_loop3A_157 = arith.constant 192 : i32
          %parallel_loop3A_158 = arith.addi %parallel_loop3A_108, %parallel_loop3A_157 : i32
          %parallel_loop3A_159 = arith.index_cast %parallel_loop3A_158 : i32 to index
          %parallel_loop3A_160 = tpu.vector_load %arg4[%parallel_loop3A_159] {strides = array<i32>} : memref<65536xf32, #tpu.memory_space<vmem>>, vector<16xf32>,
          %parallel_loop3A_161 = arith.constant 208 : i32
          %parallel_loop3A_162 = arith.addi %parallel_loop3A_108, %parallel_loop3A_161 : i32
          %parallel_loop3A_163 = arith.index_cast %parallel_loop3A_162 : i32 to index
          %parallel_loop3A_164 = tpu.vector_load %arg4[%parallel_loop3A_163] {strides = array<i32>} : memref<65536xf32, #tpu.memory_space<vmem>>, vector<16xf32>,
          %parallel_loop3A_165 = arith.constant 224 : i32
          %parallel_loop3A_166 = arith.addi %parallel_loop3A_108, %parallel_loop3A_165 : i32
          %parallel_loop3A_167 = arith.index_cast %parallel_loop3A_166 : i32 to index
          %parallel_loop3A_168 = tpu.vector_load %arg4[%parallel_loop3A_167] {strides = array<i32>} : memref<65536xf32, #tpu.memory_space<vmem>>, vector<16xf32>,
          %parallel_loop3A_169 = arith.constant 240 : i32
          %parallel_loop3A_170 = arith.addi %parallel_loop3A_108, %parallel_loop3A_169 : i32
          %parallel_loop3A_171 = arith.index_cast %parallel_loop3A_170 : i32 to index
          %parallel_loop3A_172 = tpu.vector_load %arg4[%parallel_loop3A_171] {strides = array<i32>} : memref<65536xf32, #tpu.memory_space<vmem>>, vector<16xf32>,
          %parallel_loop3A_173 = arith.maximumf %parallel_loop3A_112, %parallel_loop3A_116 : vector<16xf32>
          %parallel_loop3A_174 = arith.maximumf %parallel_loop3A_120, %parallel_loop3A_124 : vector<16xf32>
          %parallel_loop3A_175 = arith.maximumf %parallel_loop3A_128, %parallel_loop3A_132 : vector<16xf32>
          %parallel_loop3A_176 = arith.maximumf %parallel_loop3A_136, %parallel_loop3A_140 : vector<16xf32>
          %parallel_loop3A_177 = arith.maximumf %parallel_loop3A_144, %parallel_loop3A_148 : vector<16xf32>
          %parallel_loop3A_178 = arith.maximumf %parallel_loop3A_152, %parallel_loop3A_156 : vector<16xf32>
          %parallel_loop3A_179 = arith.maximumf %parallel_loop3A_160, %parallel_loop3A_164 : vector<16xf32>
          %parallel_loop3A_180 = arith.maximumf %parallel_loop3A_168, %parallel_loop3A_172 : vector<16xf32>
          %parallel_loop3A_181 = arith.maximumf %parallel_loop3A_173, %parallel_loop3A_174 : vector<16xf32>
          %parallel_loop3A_182 = arith.maximumf %parallel_loop3A_175, %parallel_loop3A_176 : vector<16xf32>
          %parallel_loop3A_183 = arith.maximumf %parallel_loop3A_177, %parallel_loop3A_178 : vector<16xf32>
          %parallel_loop3A_184 = arith.maximumf %parallel_loop3A_179, %parallel_loop3A_180 : vector<16xf32>
          %parallel_loop3A_185 = arith.maximumf %parallel_loop3A_181, %parallel_loop3A_182 : vector<16xf32>
          %parallel_loop3A_186 = arith.maximumf %parallel_loop3A_183, %parallel_loop3A_184 : vector<16xf32>
          %parallel_loop3A_187 = arith.maximumf %parallel_loop3A_185, %parallel_loop3A_186 : vector<16xf32>
          %parallel_loop3A_188 = arith.constant 8 : i32
          %parallel_loop3A_189 = arith.muli %scan3A_86, %parallel_loop3A_188 : i32
          %parallel_loop3A_190 = arith.addi %parallel_loop3A_189, %parallel_loop3A_99 : i32
          %parallel_loop3A_191 = arith.constant 16 : i32
          %parallel_loop3A_192 = arith.muli %parallel_loop3A_190, %parallel_loop3A_191 : i32
          %parallel_loop3A_193 = arith.index_cast %parallel_loop3A_192 : i32 to index
          %parallel_loop3A_194 = tpu.vector_load %arg6[%parallel_loop3A_193] {strides = array<i32>} : memref<2048xf32, #tpu.memory_space<vmem>>, vector<16xf32>,
          tpu.vector_store %arg6[%parallel_loop3A_193], %parallel_loop3A_187 {strides = array<i32>} : memref<2048xf32, #tpu.memory_space<vmem>>, vector<16xf32>,
          %parallel_loop3A_195 = arith.maximumf %parallel_loop3A_100, %parallel_loop3A_187 : vector<16xf32>
          scf.yield %parallel_loop3A_195 : vector<16xf32>
        } {sc.loop_unroll_factor = 1 : i64, sc.parallel_access}
        %eq3A_92 = vector.broadcast %scan3A_86 : i32 to vector<16xi32>
        %eq3A_93 = arith.cmpi eq, %iota3A, %eq3A_92 : vector<16xi32>
        %reduce_max3A = arith.constant true
        %reduce_max3A_94 = vector.broadcast %reduce_max3A : i1 to vector<16xi1>
        %reduce_max3A_95 = tpu.scan <max>, %parallel_loop3A_91 masked %reduce_max3A_94 : vector<16xf32>, vector<16xi1> -> vector<16xf32>
        %reduce_max3A_96 = vector.extract %reduce_max3A_95[15] : f32 from vector<16xf32>
        %broadcast_in_dim3A_97 = vector.broadcast %reduce_max3A_96 : f32 to vector<16xf32>
        %select_n3A_98 = arith.select %eq3A_93, %broadcast_in_dim3A_97, %scan3A_87 : vector<16xi1>, vector<16xf32>
        scf.yield %select_n3A_98 : vector<16xf32>
      }
      %scan3A_60 = arith.constant 16 : i32
      %scan3A_61 = arith.constant 0 : i32
      %scan3A_62 = arith.constant 8 : i32
      %scan3A_63 = arith.addi %scan3A_61, %scan3A_62 : i32
      %scan3A_64 = arith.constant 1 : i32
      %scan3A_65:3 = scf.for %scan3A_86 = %scan3A_61 to %scan3A_63 step %scan3A_64 iter_args(%scan3A_87 = %broadcast_in_dim3A_1, %scan3A_88 = %broadcast_in_dim3A_7, %scan3A_89 = %scan3A_59) -> (vector<16xf32>, vector<16xi32>, vector<16xf32>)  : i32 {
        %reduce_max3A = arith.constant true
        %reduce_max3A_90 = vector.broadcast %reduce_max3A : i1 to vector<16xi1>
        %reduce_max3A_91 = tpu.scan <max>, %scan3A_89 masked %reduce_max3A_90 : vector<16xf32>, vector<16xi1> -> vector<16xf32>
        %reduce_max3A_92 = vector.extract %reduce_max3A_91[15] : f32 from vector<16xf32>
        %eq3A_93 = vector.broadcast %reduce_max3A_92 : f32 to vector<16xf32>
        %eq3A_94 = arith.cmpf oeq, %scan3A_89, %eq3A_93 : vector<16xf32>
        %jit3A_95 = arith.constant 99 : i32
        %broadcast_in_dim3A_96 = vector.broadcast %jit3A_95 : i32 to vector<16xi32>
        %select_n3A_97 = arith.select %eq3A_94, %iota3A, %broadcast_in_dim3A_96 : vector<16xi1>, vector<16xi32>
        %reduce_min3A = arith.constant true
        %reduce_min3A_98 = vector.broadcast %reduce_min3A : i1 to vector<16xi1>
        %reduce_min3A_99 = arith.constant -2147483648 : i32
        %reduce_min3A_100 = vector.broadcast %reduce_min3A_99 : i32 to vector<16xi32>
        %reduce_min3A_101 = arith.xori %select_n3A_97, %reduce_min3A_100 : vector<16xi32>
        %reduce_min3A_102 = tpu.scan <min>, %reduce_min3A_101 masked %reduce_min3A_98 : vector<16xi32>, vector<16xi1> -> vector<16xi32>
        %reduce_min3A_103 = arith.xori %reduce_min3A_102, %reduce_min3A_100 : vector<16xi32>
        %reduce_min3A_104 = vector.extract %reduce_min3A_103[15] : i32 from vector<16xi32>
        %broadcast_in_dim3A_105 = arith.constant 99 : i32
        %broadcast_in_dim3A_106 = vector.broadcast %broadcast_in_dim3A_105 : i32 to vector<16xi32>
        %scan3A_107 = arith.constant 0 : i32
        %scan3A_108 = arith.constant 8 : i32
        %scan3A_109 = arith.addi %scan3A_107, %scan3A_108 : i32
        %scan3A_110 = arith.constant 1 : i32
        %scan3A_111 = scf.for %scan3A_511 = %scan3A_107 to %scan3A_109 step %scan3A_110 iter_args(%scan3A_512 = %broadcast_in_dim3A_106) -> (vector<16xi32>)  : i32 {
          %mul3A_513 = arith.constant 8 : i32
          %mul3A_514 = arith.muli %reduce_min3A_104, %mul3A_513 : i32
          %add3A_515 = arith.addi %mul3A_514, %scan3A_511 : i32
          %mul3A_516 = arith.constant 16 : i32
          %mul3A_517 = arith.muli %add3A_515, %mul3A_516 : i32
          %get3A_518 = arith.index_cast %mul3A_517 : i32 to index
          %get3A_519 = tpu.vector_load %arg6[%get3A_518] {strides = array<i32>} : memref<2048xf32, #tpu.memory_space<vmem>>, vector<16xf32>,
          %eq3A_520 = vector.broadcast %reduce_max3A_92 : f32 to vector<16xf32>
          %eq3A_521 = arith.cmpf oeq, %get3A_519, %eq3A_520 : vector<16xf32>
          %jit3A_522 = arith.constant 99 : i32
          %broadcast_in_dim3A_523 = vector.broadcast %scan3A_511 : i32 to vector<16xi32>
          %broadcast_in_dim3A_524 = vector.broadcast %jit3A_522 : i32 to vector<16xi32>
          %select_n3A_525 = arith.select %eq3A_521, %broadcast_in_dim3A_523, %broadcast_in_dim3A_524 : vector<16xi1>, vector<16xi32>
          %min3A_526 = arith.minsi %scan3A_512, %select_n3A_525 : vector<16xi32>
          scf.yield %min3A_526 : vector<16xi32>
        }
        %scan3A_112 = arith.constant 8 : i32
        %reduce_min3A_113 = arith.constant true
        %reduce_min3A_114 = vector.broadcast %reduce_min3A_113 : i1 to vector<16xi1>
        %reduce_min3A_115 = arith.constant -2147483648 : i32
        %reduce_min3A_116 = vector.broadcast %reduce_min3A_115 : i32 to vector<16xi32>
        %reduce_min3A_117 = arith.xori %scan3A_111, %reduce_min3A_116 : vector<16xi32>
        %reduce_min3A_118 = tpu.scan <min>, %reduce_min3A_117 masked %reduce_min3A_114 : vector<16xi32>, vector<16xi1> -> vector<16xi32>
        %reduce_min3A_119 = arith.xori %reduce_min3A_118, %reduce_min3A_116 : vector<16xi32>
        %reduce_min3A_120 = vector.extract %reduce_min3A_119[15] : i32 from vector<16xi32>
        %mul3A_121 = arith.constant 128 : i32
        %mul3A_122 = arith.muli %reduce_min3A_104, %mul3A_121 : i32
        %mul3A_123 = arith.constant 16 : i32
        %mul3A_124 = arith.muli %reduce_min3A_120, %mul3A_123 : i32
        %add3A_125 = arith.addi %mul3A_122, %mul3A_124 : i32
        %mul3A_126 = arith.constant 16 : i32
        %mul3A_127 = arith.muli %add3A_125, %mul3A_126 : i32
        %add3A_128 = arith.addi %mul3A_43, %mul3A_127 : i32
        %add3A_129 = arith.constant 0 : i32
        %add3A_130 = arith.addi %add3A_128, %add3A_129 : i32
        %get3A = arith.index_cast %add3A_130 : i32 to index
        %get3A_131 = tpu.vector_load %arg4[%get3A] {strides = array<i32>} : memref<65536xf32, #tpu.memory_space<vmem>>, vector<16xf32>,
        %eq3A_132 = vector.broadcast %reduce_max3A_92 : f32 to vector<16xf32>
        %eq3A_133 = arith.cmpf oeq, %get3A_131, %eq3A_132 : vector<16xf32>
        %add3A_134 = arith.constant 0 : i32
        %add3A_135 = arith.addi %mul3A_127, %add3A_134 : i32
        %add3A_136 = vector.broadcast %add3A_135 : i32 to vector<16xi32>
        %add3A_137 = arith.addi %add3A_136, %iota3A : vector<16xi32>
        %jit3A_138 = arith.constant 1073741824 : i32
        %broadcast_in_dim3A_139 = vector.broadcast %jit3A_138 : i32 to vector<16xi32>
        %select_n3A_140 = arith.select %eq3A_133, %add3A_137, %broadcast_in_dim3A_139 : vector<16xi1>, vector<16xi32>
        %min3A = arith.minsi %broadcast_in_dim3A_5, %select_n3A_140 : vector<16xi32>
        %convert_element_type3A_141 = arith.extui %eq3A_133 : vector<16xi1> to vector<16xi32>
        %add3A_142 = arith.addi %broadcast_in_dim3A_7, %convert_element_type3A_141 : vector<16xi32>
        %jit3A_143 = arith.constant 0xFF800000 : f32
        %broadcast_in_dim3A_144 = vector.broadcast %jit3A_143 : f32 to vector<16xf32>
        %select_n3A_145 = arith.select %eq3A_133, %broadcast_in_dim3A_144, %get3A_131 : vector<16xi1>, vector<16xf32>
        %max3A_146 = arith.maximumf %broadcast_in_dim3A_3, %select_n3A_145 : vector<16xf32>
        %add3A_147 = arith.addi %mul3A_43, %mul3A_127 : i32
        %add3A_148 = arith.constant 16 : i32
        %add3A_149 = arith.addi %add3A_147, %add3A_148 : i32
        %get3A_150 = arith.index_cast %add3A_149 : i32 to index
        %get3A_151 = tpu.vector_load %arg4[%get3A_150] {strides = array<i32>} : memref<65536xf32, #tpu.memory_space<vmem>>, vector<16xf32>,
        %eq3A_152 = vector.broadcast %reduce_max3A_92 : f32 to vector<16xf32>
        %eq3A_153 = arith.cmpf oeq, %get3A_151, %eq3A_152 : vector<16xf32>
        %add3A_154 = arith.constant 16 : i32
        %add3A_155 = arith.addi %mul3A_127, %add3A_154 : i32
        %add3A_156 = vector.broadcast %add3A_155 : i32 to vector<16xi32>
        %add3A_157 = arith.addi %add3A_156, %iota3A : vector<16xi32>
        %jit3A_158 = arith.constant 1073741824 : i32
        %broadcast_in_dim3A_159 = vector.broadcast %jit3A_158 : i32 to vector<16xi32>
        %select_n3A_160 = arith.select %eq3A_153, %add3A_157, %broadcast_in_dim3A_159 : vector<16xi1>, vector<16xi32>
        %min3A_161 = arith.minsi %min3A, %select_n3A_160 : vector<16xi32>
        %convert_element_type3A_162 = arith.extui %eq3A_153 : vector<16xi1> to vector<16xi32>
        %add3A_163 = arith.addi %add3A_142, %convert_element_type3A_162 : vector<16xi32>
        %jit3A_164 = arith.constant 0xFF800000 : f32
        %broadcast_in_dim3A_165 = vector.broadcast %jit3A_164 : f32 to vector<16xf32>
        %select_n3A_166 = arith.select %eq3A_153, %broadcast_in_dim3A_165, %get3A_151 : vector<16xi1>, vector<16xf32>
        %max3A_167 = arith.maximumf %max3A_146, %select_n3A_166 : vector<16xf32>
        %add3A_168 = arith.addi %mul3A_43, %mul3A_127 : i32
        %add3A_169 = arith.constant 32 : i32
        %add3A_170 = arith.addi %add3A_168, %add3A_169 : i32
        %get3A_171 = arith.index_cast %add3A_170 : i32 to index
        %get3A_172 = tpu.vector_load %arg4[%get3A_171] {strides = array<i32>} : memref<65536xf32, #tpu.memory_space<vmem>>, vector<16xf32>,
        %eq3A_173 = vector.broadcast %reduce_max3A_92 : f32 to vector<16xf32>
        %eq3A_174 = arith.cmpf oeq, %get3A_172, %eq3A_173 : vector<16xf32>
        %add3A_175 = arith.constant 32 : i32
        %add3A_176 = arith.addi %mul3A_127, %add3A_175 : i32
        %add3A_177 = vector.broadcast %add3A_176 : i32 to vector<16xi32>
        %add3A_178 = arith.addi %add3A_177, %iota3A : vector<16xi32>
        %jit3A_179 = arith.constant 1073741824 : i32
        %broadcast_in_dim3A_180 = vector.broadcast %jit3A_179 : i32 to vector<16xi32>
        %select_n3A_181 = arith.select %eq3A_174, %add3A_178, %broadcast_in_dim3A_180 : vector<16xi1>, vector<16xi32>
        %min3A_182 = arith.minsi %min3A_161, %select_n3A_181 : vector<16xi32>
        %convert_element_type3A_183 = arith.extui %eq3A_174 : vector<16xi1> to vector<16xi32>
        %add3A_184 = arith.addi %add3A_163, %convert_element_type3A_183 : vector<16xi32>
        %jit3A_185 = arith.constant 0xFF800000 : f32
        %broadcast_in_dim3A_186 = vector.broadcast %jit3A_185 : f32 to vector<16xf32>
        %select_n3A_187 = arith.select %eq3A_174, %broadcast_in_dim3A_186, %get3A_172 : vector<16xi1>, vector<16xf32>
        %max3A_188 = arith.maximumf %max3A_167, %select_n3A_187 : vector<16xf32>
        %add3A_189 = arith.addi %mul3A_43, %mul3A_127 : i32
        %add3A_190 = arith.constant 48 : i32
        %add3A_191 = arith.addi %add3A_189, %add3A_190 : i32
        %get3A_192 = arith.index_cast %add3A_191 : i32 to index
        %get3A_193 = tpu.vector_load %arg4[%get3A_192] {strides = array<i32>} : memref<65536xf32, #tpu.memory_space<vmem>>, vector<16xf32>,
        %eq3A_194 = vector.broadcast %reduce_max3A_92 : f32 to vector<16xf32>
        %eq3A_195 = arith.cmpf oeq, %get3A_193, %eq3A_194 : vector<16xf32>
        %add3A_196 = arith.constant 48 : i32
        %add3A_197 = arith.addi %mul3A_127, %add3A_196 : i32
        %add3A_198 = vector.broadcast %add3A_197 : i32 to vector<16xi32>
        %add3A_199 = arith.addi %add3A_198, %iota3A : vector<16xi32>
        %jit3A_200 = arith.constant 1073741824 : i32
        %broadcast_in_dim3A_201 = vector.broadcast %jit3A_200 : i32 to vector<16xi32>
        %select_n3A_202 = arith.select %eq3A_195, %add3A_199, %broadcast_in_dim3A_201 : vector<16xi1>, vector<16xi32>
        %min3A_203 = arith.minsi %min3A_182, %select_n3A_202 : vector<16xi32>
        %convert_element_type3A_204 = arith.extui %eq3A_195 : vector<16xi1> to vector<16xi32>
        %add3A_205 = arith.addi %add3A_184, %convert_element_type3A_204 : vector<16xi32>
        %jit3A_206 = arith.constant 0xFF800000 : f32
        %broadcast_in_dim3A_207 = vector.broadcast %jit3A_206 : f32 to vector<16xf32>
        %select_n3A_208 = arith.select %eq3A_195, %broadcast_in_dim3A_207, %get3A_193 : vector<16xi1>, vector<16xf32>
        %max3A_209 = arith.maximumf %max3A_188, %select_n3A_208 : vector<16xf32>
        %add3A_210 = arith.addi %mul3A_43, %mul3A_127 : i32
        %add3A_211 = arith.constant 64 : i32
        %add3A_212 = arith.addi %add3A_210, %add3A_211 : i32
        %get3A_213 = arith.index_cast %add3A_212 : i32 to index
        %get3A_214 = tpu.vector_load %arg4[%get3A_213] {strides = array<i32>} : memref<65536xf32, #tpu.memory_space<vmem>>, vector<16xf32>,
        %eq3A_215 = vector.broadcast %reduce_max3A_92 : f32 to vector<16xf32>
        %eq3A_216 = arith.cmpf oeq, %get3A_214, %eq3A_215 : vector<16xf32>
        %add3A_217 = arith.constant 64 : i32
        %add3A_218 = arith.addi %mul3A_127, %add3A_217 : i32
        %add3A_219 = vector.broadcast %add3A_218 : i32 to vector<16xi32>
        %add3A_220 = arith.addi %add3A_219, %iota3A : vector<16xi32>
        %jit3A_221 = arith.constant 1073741824 : i32
        %broadcast_in_dim3A_222 = vector.broadcast %jit3A_221 : i32 to vector<16xi32>
        %select_n3A_223 = arith.select %eq3A_216, %add3A_220, %broadcast_in_dim3A_222 : vector<16xi1>, vector<16xi32>
        %min3A_224 = arith.minsi %min3A_203, %select_n3A_223 : vector<16xi32>
        %convert_element_type3A_225 = arith.extui %eq3A_216 : vector<16xi1> to vector<16xi32>
        %add3A_226 = arith.addi %add3A_205, %convert_element_type3A_225 : vector<16xi32>
        %jit3A_227 = arith.constant 0xFF800000 : f32
        %broadcast_in_dim3A_228 = vector.broadcast %jit3A_227 : f32 to vector<16xf32>
        %select_n3A_229 = arith.select %eq3A_216, %broadcast_in_dim3A_228, %get3A_214 : vector<16xi1>, vector<16xf32>
        %max3A_230 = arith.maximumf %max3A_209, %select_n3A_229 : vector<16xf32>
        %add3A_231 = arith.addi %mul3A_43, %mul3A_127 : i32
        %add3A_232 = arith.constant 80 : i32
        %add3A_233 = arith.addi %add3A_231, %add3A_232 : i32
        %get3A_234 = arith.index_cast %add3A_233 : i32 to index
        %get3A_235 = tpu.vector_load %arg4[%get3A_234] {strides = array<i32>} : memref<65536xf32, #tpu.memory_space<vmem>>, vector<16xf32>,
        %eq3A_236 = vector.broadcast %reduce_max3A_92 : f32 to vector<16xf32>
        %eq3A_237 = arith.cmpf oeq, %get3A_235, %eq3A_236 : vector<16xf32>
        %add3A_238 = arith.constant 80 : i32
        %add3A_239 = arith.addi %mul3A_127, %add3A_238 : i32
        %add3A_240 = vector.broadcast %add3A_239 : i32 to vector<16xi32>
        %add3A_241 = arith.addi %add3A_240, %iota3A : vector<16xi32>
        %jit3A_242 = arith.constant 1073741824 : i32
        %broadcast_in_dim3A_243 = vector.broadcast %jit3A_242 : i32 to vector<16xi32>
        %select_n3A_244 = arith.select %eq3A_237, %add3A_241, %broadcast_in_dim3A_243 : vector<16xi1>, vector<16xi32>
        %min3A_245 = arith.minsi %min3A_224, %select_n3A_244 : vector<16xi32>
        %convert_element_type3A_246 = arith.extui %eq3A_237 : vector<16xi1> to vector<16xi32>
        %add3A_247 = arith.addi %add3A_226, %convert_element_type3A_246 : vector<16xi32>
        %jit3A_248 = arith.constant 0xFF800000 : f32
        %broadcast_in_dim3A_249 = vector.broadcast %jit3A_248 : f32 to vector<16xf32>
        %select_n3A_250 = arith.select %eq3A_237, %broadcast_in_dim3A_249, %get3A_235 : vector<16xi1>, vector<16xf32>
        %max3A_251 = arith.maximumf %max3A_230, %select_n3A_250 : vector<16xf32>
        %add3A_252 = arith.addi %mul3A_43, %mul3A_127 : i32
        %add3A_253 = arith.constant 96 : i32
        %add3A_254 = arith.addi %add3A_252, %add3A_253 : i32
        %get3A_255 = arith.index_cast %add3A_254 : i32 to index
        %get3A_256 = tpu.vector_load %arg4[%get3A_255] {strides = array<i32>} : memref<65536xf32, #tpu.memory_space<vmem>>, vector<16xf32>,
        %eq3A_257 = vector.broadcast %reduce_max3A_92 : f32 to vector<16xf32>
        %eq3A_258 = arith.cmpf oeq, %get3A_256, %eq3A_257 : vector<16xf32>
        %add3A_259 = arith.constant 96 : i32
        %add3A_260 = arith.addi %mul3A_127, %add3A_259 : i32
        %add3A_261 = vector.broadcast %add3A_260 : i32 to vector<16xi32>
        %add3A_262 = arith.addi %add3A_261, %iota3A : vector<16xi32>
        %jit3A_263 = arith.constant 1073741824 : i32
        %broadcast_in_dim3A_264 = vector.broadcast %jit3A_263 : i32 to vector<16xi32>
        %select_n3A_265 = arith.select %eq3A_258, %add3A_262, %broadcast_in_dim3A_264 : vector<16xi1>, vector<16xi32>
        %min3A_266 = arith.minsi %min3A_245, %select_n3A_265 : vector<16xi32>
        %convert_element_type3A_267 = arith.extui %eq3A_258 : vector<16xi1> to vector<16xi32>
        %add3A_268 = arith.addi %add3A_247, %convert_element_type3A_267 : vector<16xi32>
        %jit3A_269 = arith.constant 0xFF800000 : f32
        %broadcast_in_dim3A_270 = vector.broadcast %jit3A_269 : f32 to vector<16xf32>
        %select_n3A_271 = arith.select %eq3A_258, %broadcast_in_dim3A_270, %get3A_256 : vector<16xi1>, vector<16xf32>
        %max3A_272 = arith.maximumf %max3A_251, %select_n3A_271 : vector<16xf32>
        %add3A_273 = arith.addi %mul3A_43, %mul3A_127 : i32
        %add3A_274 = arith.constant 112 : i32
        %add3A_275 = arith.addi %add3A_273, %add3A_274 : i32
        %get3A_276 = arith.index_cast %add3A_275 : i32 to index
        %get3A_277 = tpu.vector_load %arg4[%get3A_276] {strides = array<i32>} : memref<65536xf32, #tpu.memory_space<vmem>>, vector<16xf32>,
        %eq3A_278 = vector.broadcast %reduce_max3A_92 : f32 to vector<16xf32>
        %eq3A_279 = arith.cmpf oeq, %get3A_277, %eq3A_278 : vector<16xf32>
        %add3A_280 = arith.constant 112 : i32
        %add3A_281 = arith.addi %mul3A_127, %add3A_280 : i32
        %add3A_282 = vector.broadcast %add3A_281 : i32 to vector<16xi32>
        %add3A_283 = arith.addi %add3A_282, %iota3A : vector<16xi32>
        %jit3A_284 = arith.constant 1073741824 : i32
        %broadcast_in_dim3A_285 = vector.broadcast %jit3A_284 : i32 to vector<16xi32>
        %select_n3A_286 = arith.select %eq3A_279, %add3A_283, %broadcast_in_dim3A_285 : vector<16xi1>, vector<16xi32>
        %min3A_287 = arith.minsi %min3A_266, %select_n3A_286 : vector<16xi32>
        %convert_element_type3A_288 = arith.extui %eq3A_279 : vector<16xi1> to vector<16xi32>
        %add3A_289 = arith.addi %add3A_268, %convert_element_type3A_288 : vector<16xi32>
        %jit3A_290 = arith.constant 0xFF800000 : f32
        %broadcast_in_dim3A_291 = vector.broadcast %jit3A_290 : f32 to vector<16xf32>
        %select_n3A_292 = arith.select %eq3A_279, %broadcast_in_dim3A_291, %get3A_277 : vector<16xi1>, vector<16xf32>
        %max3A_293 = arith.maximumf %max3A_272, %select_n3A_292 : vector<16xf32>
        %add3A_294 = arith.addi %mul3A_43, %mul3A_127 : i32
        %add3A_295 = arith.constant 128 : i32
        %add3A_296 = arith.addi %add3A_294, %add3A_295 : i32
        %get3A_297 = arith.index_cast %add3A_296 : i32 to index
        %get3A_298 = tpu.vector_load %arg4[%get3A_297] {strides = array<i32>} : memref<65536xf32, #tpu.memory_space<vmem>>, vector<16xf32>,
        %eq3A_299 = vector.broadcast %reduce_max3A_92 : f32 to vector<16xf32>
        %eq3A_300 = arith.cmpf oeq, %get3A_298, %eq3A_299 : vector<16xf32>
        %add3A_301 = arith.constant 128 : i32
        %add3A_302 = arith.addi %mul3A_127, %add3A_301 : i32
        %add3A_303 = vector.broadcast %add3A_302 : i32 to vector<16xi32>
        %add3A_304 = arith.addi %add3A_303, %iota3A : vector<16xi32>
        %jit3A_305 = arith.constant 1073741824 : i32
        %broadcast_in_dim3A_306 = vector.broadcast %jit3A_305 : i32 to vector<16xi32>
        %select_n3A_307 = arith.select %eq3A_300, %add3A_304, %broadcast_in_dim3A_306 : vector<16xi1>, vector<16xi32>
        %min3A_308 = arith.minsi %min3A_287, %select_n3A_307 : vector<16xi32>
        %convert_element_type3A_309 = arith.extui %eq3A_300 : vector<16xi1> to vector<16xi32>
        %add3A_310 = arith.addi %add3A_289, %convert_element_type3A_309 : vector<16xi32>
        %jit3A_311 = arith.constant 0xFF800000 : f32
        %broadcast_in_dim3A_312 = vector.broadcast %jit3A_311 : f32 to vector<16xf32>
        %select_n3A_313 = arith.select %eq3A_300, %broadcast_in_dim3A_312, %get3A_298 : vector<16xi1>, vector<16xf32>
        %max3A_314 = arith.maximumf %max3A_293, %select_n3A_313 : vector<16xf32>
        %add3A_315 = arith.addi %mul3A_43, %mul3A_127 : i32
        %add3A_316 = arith.constant 144 : i32
        %add3A_317 = arith.addi %add3A_315, %add3A_316 : i32
        %get3A_318 = arith.index_cast %add3A_317 : i32 to index
        %get3A_319 = tpu.vector_load %arg4[%get3A_318] {strides = array<i32>} : memref<65536xf32, #tpu.memory_space<vmem>>, vector<16xf32>,
        %eq3A_320 = vector.broadcast %reduce_max3A_92 : f32 to vector<16xf32>
        %eq3A_321 = arith.cmpf oeq, %get3A_319, %eq3A_320 : vector<16xf32>
        %add3A_322 = arith.constant 144 : i32
        %add3A_323 = arith.addi %mul3A_127, %add3A_322 : i32
        %add3A_324 = vector.broadcast %add3A_323 : i32 to vector<16xi32>
        %add3A_325 = arith.addi %add3A_324, %iota3A : vector<16xi32>
        %jit3A_326 = arith.constant 1073741824 : i32
        %broadcast_in_dim3A_327 = vector.broadcast %jit3A_326 : i32 to vector<16xi32>
        %select_n3A_328 = arith.select %eq3A_321, %add3A_325, %broadcast_in_dim3A_327 : vector<16xi1>, vector<16xi32>
        %min3A_329 = arith.minsi %min3A_308, %select_n3A_328 : vector<16xi32>
        %convert_element_type3A_330 = arith.extui %eq3A_321 : vector<16xi1> to vector<16xi32>
        %add3A_331 = arith.addi %add3A_310, %convert_element_type3A_330 : vector<16xi32>
        %jit3A_332 = arith.constant 0xFF800000 : f32
        %broadcast_in_dim3A_333 = vector.broadcast %jit3A_332 : f32 to vector<16xf32>
        %select_n3A_334 = arith.select %eq3A_321, %broadcast_in_dim3A_333, %get3A_319 : vector<16xi1>, vector<16xf32>
        %max3A_335 = arith.maximumf %max3A_314, %select_n3A_334 : vector<16xf32>
        %add3A_336 = arith.addi %mul3A_43, %mul3A_127 : i32
        %add3A_337 = arith.constant 160 : i32
        %add3A_338 = arith.addi %add3A_336, %add3A_337 : i32
        %get3A_339 = arith.index_cast %add3A_338 : i32 to index
        %get3A_340 = tpu.vector_load %arg4[%get3A_339] {strides = array<i32>} : memref<65536xf32, #tpu.memory_space<vmem>>, vector<16xf32>,
        %eq3A_341 = vector.broadcast %reduce_max3A_92 : f32 to vector<16xf32>
        %eq3A_342 = arith.cmpf oeq, %get3A_340, %eq3A_341 : vector<16xf32>
        %add3A_343 = arith.constant 160 : i32
        %add3A_344 = arith.addi %mul3A_127, %add3A_343 : i32
        %add3A_345 = vector.broadcast %add3A_344 : i32 to vector<16xi32>
        %add3A_346 = arith.addi %add3A_345, %iota3A : vector<16xi32>
        %jit3A_347 = arith.constant 1073741824 : i32
        %broadcast_in_dim3A_348 = vector.broadcast %jit3A_347 : i32 to vector<16xi32>
        %select_n3A_349 = arith.select %eq3A_342, %add3A_346, %broadcast_in_dim3A_348 : vector<16xi1>, vector<16xi32>
        %min3A_350 = arith.minsi %min3A_329, %select_n3A_349 : vector<16xi32>
        %convert_element_type3A_351 = arith.extui %eq3A_342 : vector<16xi1> to vector<16xi32>
        %add3A_352 = arith.addi %add3A_331, %convert_element_type3A_351 : vector<16xi32>
        %jit3A_353 = arith.constant 0xFF800000 : f32
        %broadcast_in_dim3A_354 = vector.broadcast %jit3A_353 : f32 to vector<16xf32>
        %select_n3A_355 = arith.select %eq3A_342, %broadcast_in_dim3A_354, %get3A_340 : vector<16xi1>, vector<16xf32>
        %max3A_356 = arith.maximumf %max3A_335, %select_n3A_355 : vector<16xf32>
        %add3A_357 = arith.addi %mul3A_43, %mul3A_127 : i32
        %add3A_358 = arith.constant 176 : i32
        %add3A_359 = arith.addi %add3A_357, %add3A_358 : i32
        %get3A_360 = arith.index_cast %add3A_359 : i32 to index
        %get3A_361 = tpu.vector_load %arg4[%get3A_360] {strides = array<i32>} : memref<65536xf32, #tpu.memory_space<vmem>>, vector<16xf32>,
        %eq3A_362 = vector.broadcast %reduce_max3A_92 : f32 to vector<16xf32>
        %eq3A_363 = arith.cmpf oeq, %get3A_361, %eq3A_362 : vector<16xf32>
        %add3A_364 = arith.constant 176 : i32
        %add3A_365 = arith.addi %mul3A_127, %add3A_364 : i32
        %add3A_366 = vector.broadcast %add3A_365 : i32 to vector<16xi32>
        %add3A_367 = arith.addi %add3A_366, %iota3A : vector<16xi32>
        %jit3A_368 = arith.constant 1073741824 : i32
        %broadcast_in_dim3A_369 = vector.broadcast %jit3A_368 : i32 to vector<16xi32>
        %select_n3A_370 = arith.select %eq3A_363, %add3A_367, %broadcast_in_dim3A_369 : vector<16xi1>, vector<16xi32>
        %min3A_371 = arith.minsi %min3A_350, %select_n3A_370 : vector<16xi32>
        %convert_element_type3A_372 = arith.extui %eq3A_363 : vector<16xi1> to vector<16xi32>
        %add3A_373 = arith.addi %add3A_352, %convert_element_type3A_372 : vector<16xi32>
        %jit3A_374 = arith.constant 0xFF800000 : f32
        %broadcast_in_dim3A_375 = vector.broadcast %jit3A_374 : f32 to vector<16xf32>
        %select_n3A_376 = arith.select %eq3A_363, %broadcast_in_dim3A_375, %get3A_361 : vector<16xi1>, vector<16xf32>
        %max3A_377 = arith.maximumf %max3A_356, %select_n3A_376 : vector<16xf32>
        %add3A_378 = arith.addi %mul3A_43, %mul3A_127 : i32
        %add3A_379 = arith.constant 192 : i32
        %add3A_380 = arith.addi %add3A_378, %add3A_379 : i32
        %get3A_381 = arith.index_cast %add3A_380 : i32 to index
        %get3A_382 = tpu.vector_load %arg4[%get3A_381] {strides = array<i32>} : memref<65536xf32, #tpu.memory_space<vmem>>, vector<16xf32>,
        %eq3A_383 = vector.broadcast %reduce_max3A_92 : f32 to vector<16xf32>
        %eq3A_384 = arith.cmpf oeq, %get3A_382, %eq3A_383 : vector<16xf32>
        %add3A_385 = arith.constant 192 : i32
        %add3A_386 = arith.addi %mul3A_127, %add3A_385 : i32
        %add3A_387 = vector.broadcast %add3A_386 : i32 to vector<16xi32>
        %add3A_388 = arith.addi %add3A_387, %iota3A : vector<16xi32>
        %jit3A_389 = arith.constant 1073741824 : i32
        %broadcast_in_dim3A_390 = vector.broadcast %jit3A_389 : i32 to vector<16xi32>
        %select_n3A_391 = arith.select %eq3A_384, %add3A_388, %broadcast_in_dim3A_390 : vector<16xi1>, vector<16xi32>
        %min3A_392 = arith.minsi %min3A_371, %select_n3A_391 : vector<16xi32>
        %convert_element_type3A_393 = arith.extui %eq3A_384 : vector<16xi1> to vector<16xi32>
        %add3A_394 = arith.addi %add3A_373, %convert_element_type3A_393 : vector<16xi32>
        %jit3A_395 = arith.constant 0xFF800000 : f32
        %broadcast_in_dim3A_396 = vector.broadcast %jit3A_395 : f32 to vector<16xf32>
        %select_n3A_397 = arith.select %eq3A_384, %broadcast_in_dim3A_396, %get3A_382 : vector<16xi1>, vector<16xf32>
        %max3A_398 = arith.maximumf %max3A_377, %select_n3A_397 : vector<16xf32>
        %add3A_399 = arith.addi %mul3A_43, %mul3A_127 : i32
        %add3A_400 = arith.constant 208 : i32
        %add3A_401 = arith.addi %add3A_399, %add3A_400 : i32
        %get3A_402 = arith.index_cast %add3A_401 : i32 to index
        %get3A_403 = tpu.vector_load %arg4[%get3A_402] {strides = array<i32>} : memref<65536xf32, #tpu.memory_space<vmem>>, vector<16xf32>,
        %eq3A_404 = vector.broadcast %reduce_max3A_92 : f32 to vector<16xf32>
        %eq3A_405 = arith.cmpf oeq, %get3A_403, %eq3A_404 : vector<16xf32>
        %add3A_406 = arith.constant 208 : i32
        %add3A_407 = arith.addi %mul3A_127, %add3A_406 : i32
        %add3A_408 = vector.broadcast %add3A_407 : i32 to vector<16xi32>
        %add3A_409 = arith.addi %add3A_408, %iota3A : vector<16xi32>
        %jit3A_410 = arith.constant 1073741824 : i32
        %broadcast_in_dim3A_411 = vector.broadcast %jit3A_410 : i32 to vector<16xi32>
        %select_n3A_412 = arith.select %eq3A_405, %add3A_409, %broadcast_in_dim3A_411 : vector<16xi1>, vector<16xi32>
        %min3A_413 = arith.minsi %min3A_392, %select_n3A_412 : vector<16xi32>
        %convert_element_type3A_414 = arith.extui %eq3A_405 : vector<16xi1> to vector<16xi32>
        %add3A_415 = arith.addi %add3A_394, %convert_element_type3A_414 : vector<16xi32>
        %jit3A_416 = arith.constant 0xFF800000 : f32
        %broadcast_in_dim3A_417 = vector.broadcast %jit3A_416 : f32 to vector<16xf32>
        %select_n3A_418 = arith.select %eq3A_405, %broadcast_in_dim3A_417, %get3A_403 : vector<16xi1>, vector<16xf32>
        %max3A_419 = arith.maximumf %max3A_398, %select_n3A_418 : vector<16xf32>
        %add3A_420 = arith.addi %mul3A_43, %mul3A_127 : i32
        %add3A_421 = arith.constant 224 : i32
        %add3A_422 = arith.addi %add3A_420, %add3A_421 : i32
        %get3A_423 = arith.index_cast %add3A_422 : i32 to index
        %get3A_424 = tpu.vector_load %arg4[%get3A_423] {strides = array<i32>} : memref<65536xf32, #tpu.memory_space<vmem>>, vector<16xf32>,
        %eq3A_425 = vector.broadcast %reduce_max3A_92 : f32 to vector<16xf32>
        %eq3A_426 = arith.cmpf oeq, %get3A_424, %eq3A_425 : vector<16xf32>
        %add3A_427 = arith.constant 224 : i32
        %add3A_428 = arith.addi %mul3A_127, %add3A_427 : i32
        %add3A_429 = vector.broadcast %add3A_428 : i32 to vector<16xi32>
        %add3A_430 = arith.addi %add3A_429, %iota3A : vector<16xi32>
        %jit3A_431 = arith.constant 1073741824 : i32
        %broadcast_in_dim3A_432 = vector.broadcast %jit3A_431 : i32 to vector<16xi32>
        %select_n3A_433 = arith.select %eq3A_426, %add3A_430, %broadcast_in_dim3A_432 : vector<16xi1>, vector<16xi32>
        %min3A_434 = arith.minsi %min3A_413, %select_n3A_433 : vector<16xi32>
        %convert_element_type3A_435 = arith.extui %eq3A_426 : vector<16xi1> to vector<16xi32>
        %add3A_436 = arith.addi %add3A_415, %convert_element_type3A_435 : vector<16xi32>
        %jit3A_437 = arith.constant 0xFF800000 : f32
        %broadcast_in_dim3A_438 = vector.broadcast %jit3A_437 : f32 to vector<16xf32>
        %select_n3A_439 = arith.select %eq3A_426, %broadcast_in_dim3A_438, %get3A_424 : vector<16xi1>, vector<16xf32>
        %max3A_440 = arith.maximumf %max3A_419, %select_n3A_439 : vector<16xf32>
        %add3A_441 = arith.addi %mul3A_43, %mul3A_127 : i32
        %add3A_442 = arith.constant 240 : i32
        %add3A_443 = arith.addi %add3A_441, %add3A_442 : i32
        %get3A_444 = arith.index_cast %add3A_443 : i32 to index
        %get3A_445 = tpu.vector_load %arg4[%get3A_444] {strides = array<i32>} : memref<65536xf32, #tpu.memory_space<vmem>>, vector<16xf32>,
        %eq3A_446 = vector.broadcast %reduce_max3A_92 : f32 to vector<16xf32>
        %eq3A_447 = arith.cmpf oeq, %get3A_445, %eq3A_446 : vector<16xf32>
        %add3A_448 = arith.constant 240 : i32
        %add3A_449 = arith.addi %mul3A_127, %add3A_448 : i32
        %add3A_450 = vector.broadcast %add3A_449 : i32 to vector<16xi32>
        %add3A_451 = arith.addi %add3A_450, %iota3A : vector<16xi32>
        %jit3A_452 = arith.constant 1073741824 : i32
        %broadcast_in_dim3A_453 = vector.broadcast %jit3A_452 : i32 to vector<16xi32>
        %select_n3A_454 = arith.select %eq3A_447, %add3A_451, %broadcast_in_dim3A_453 : vector<16xi1>, vector<16xi32>
        %min3A_455 = arith.minsi %min3A_434, %select_n3A_454 : vector<16xi32>
        %convert_element_type3A_456 = arith.extui %eq3A_447 : vector<16xi1> to vector<16xi32>
        %add3A_457 = arith.addi %add3A_436, %convert_element_type3A_456 : vector<16xi32>
        %jit3A_458 = arith.constant 0xFF800000 : f32
        %broadcast_in_dim3A_459 = vector.broadcast %jit3A_458 : f32 to vector<16xf32>
        %select_n3A_460 = arith.select %eq3A_447, %broadcast_in_dim3A_459, %get3A_445 : vector<16xi1>, vector<16xf32>
        %max3A_461 = arith.maximumf %max3A_440, %select_n3A_460 : vector<16xf32>
        %reduce_min3A_462 = arith.constant true
        %reduce_min3A_463 = vector.broadcast %reduce_min3A_462 : i1 to vector<16xi1>
        %reduce_min3A_464 = arith.constant -2147483648 : i32
        %reduce_min3A_465 = vector.broadcast %reduce_min3A_464 : i32 to vector<16xi32>
        %reduce_min3A_466 = arith.xori %min3A_455, %reduce_min3A_465 : vector<16xi32>
        %reduce_min3A_467 = tpu.scan <min>, %reduce_min3A_466 masked %reduce_min3A_463 : vector<16xi32>, vector<16xi1> -> vector<16xi32>
        %reduce_min3A_468 = arith.xori %reduce_min3A_467, %reduce_min3A_465 : vector<16xi32>
        %reduce_min3A_469 = vector.extract %reduce_min3A_468[15] : i32 from vector<16xi32>
        %add3A_470 = arith.addi %mul3A_43, %reduce_min3A_469 : i32
        %broadcast_in_dim3A_471 = vector.broadcast %add3A_470 : i32 to vector<16xi32>
        tpu.vector_store_idx %arg4[%broadcast_in_dim3A_471], %broadcast_in_dim3A_3 masked %eq3A_9 : memref<65536xf32, #tpu.memory_space<vmem>>[vector<16xi32>], vector<16xf32>, vector<16xi1>
        %and3A_472 = arith.constant 15 : i32
        %and3A_473 = arith.andi %reduce_min3A_469, %and3A_472 : i32
        %eq3A_474 = vector.broadcast %and3A_473 : i32 to vector<16xi32>
        %eq3A_475 = arith.cmpi eq, %iota3A, %eq3A_474 : vector<16xi32>
        %convert_element_type3A_476 = arith.extui %eq3A_475 : vector<16xi1> to vector<16xi32>
        %sub3A_477 = arith.subi %add3A_457, %convert_element_type3A_476 : vector<16xi32>
        %gt3A_478 = arith.constant 0 : i32
        %gt3A_479 = vector.broadcast %gt3A_478 : i32 to vector<16xi32>
        %gt3A_480 = arith.cmpi sgt, %sub3A_477, %gt3A_479 : vector<16xi32>
        %broadcast_in_dim3A_481 = vector.broadcast %reduce_max3A_92 : f32 to vector<16xf32>
        %select_n3A_482 = arith.select %gt3A_480, %broadcast_in_dim3A_481, %max3A_461 : vector<16xi1>, vector<16xf32>
        %mul3A_483 = arith.constant 8 : i32
        %mul3A_484 = arith.muli %reduce_min3A_104, %mul3A_483 : i32
        %add3A_485 = arith.addi %mul3A_484, %reduce_min3A_120 : i32
        %mul3A_486 = arith.constant 16 : i32
        %mul3A_487 = arith.muli %add3A_485, %mul3A_486 : i32
        %swap3A = arith.index_cast %mul3A_487 : i32 to index
        %swap3A_488 = tpu.vector_load %arg6[%swap3A] {strides = array<i32>} : memref<2048xf32, #tpu.memory_space<vmem>>, vector<16xf32>,
        tpu.vector_store %arg6[%swap3A], %select_n3A_482 {strides = array<i32>} : memref<2048xf32, #tpu.memory_space<vmem>>, vector<16xf32>,
        %scan3A_489 = arith.constant 0 : i32
        %scan3A_490 = arith.constant 8 : i32
        %scan3A_491 = arith.addi %scan3A_489, %scan3A_490 : i32
        %scan3A_492 = arith.constant 1 : i32
        %scan3A_493 = scf.for %scan3A_511 = %scan3A_489 to %scan3A_491 step %scan3A_492 iter_args(%scan3A_512 = %broadcast_in_dim3A_3) -> (vector<16xf32>)  : i32 {
          %mul3A_513 = arith.constant 8 : i32
          %mul3A_514 = arith.muli %reduce_min3A_104, %mul3A_513 : i32
          %add3A_515 = arith.addi %mul3A_514, %scan3A_511 : i32
          %mul3A_516 = arith.constant 16 : i32
          %mul3A_517 = arith.muli %add3A_515, %mul3A_516 : i32
          %get3A_518 = arith.index_cast %mul3A_517 : i32 to index
          %get3A_519 = tpu.vector_load %arg6[%get3A_518] {strides = array<i32>} : memref<2048xf32, #tpu.memory_space<vmem>>, vector<16xf32>,
          %max3A_520 = arith.maximumf %scan3A_512, %get3A_519 : vector<16xf32>
          scf.yield %max3A_520 : vector<16xf32>
        }
        %scan3A_494 = arith.constant 8 : i32
        %eq3A_495 = vector.broadcast %reduce_min3A_104 : i32 to vector<16xi32>
        %eq3A_496 = arith.cmpi eq, %iota3A, %eq3A_495 : vector<16xi32>
        %reduce_max3A_497 = arith.constant true
        %reduce_max3A_498 = vector.broadcast %reduce_max3A_497 : i1 to vector<16xi1>
        %reduce_max3A_499 = tpu.scan <max>, %scan3A_493 masked %reduce_max3A_498 : vector<16xf32>, vector<16xi1> -> vector<16xf32>
        %reduce_max3A_500 = vector.extract %reduce_max3A_499[15] : f32 from vector<16xf32>
        %broadcast_in_dim3A_501 = vector.broadcast %reduce_max3A_500 : f32 to vector<16xf32>
        %select_n3A_502 = arith.select %eq3A_496, %broadcast_in_dim3A_501, %scan3A_89 : vector<16xi1>, vector<16xf32>
        %eq3A_503 = vector.broadcast %scan3A_86 : i32 to vector<16xi32>
        %eq3A_504 = arith.cmpi eq, %iota3A, %eq3A_503 : vector<16xi32>
        %broadcast_in_dim3A_505 = vector.broadcast %reduce_max3A_92 : f32 to vector<16xf32>
        %select_n3A_506 = arith.select %eq3A_504, %broadcast_in_dim3A_505, %scan3A_87 : vector<16xi1>, vector<16xf32>
        %eq3A_507 = vector.broadcast %scan3A_86 : i32 to vector<16xi32>
        %eq3A_508 = arith.cmpi eq, %iota3A, %eq3A_507 : vector<16xi32>
        %broadcast_in_dim3A_509 = vector.broadcast %reduce_min3A_469 : i32 to vector<16xi32>
        %select_n3A_510 = arith.select %eq3A_508, %broadcast_in_dim3A_509, %scan3A_88 : vector<16xi1>, vector<16xi32>
        scf.yield %select_n3A_506, %select_n3A_510, %select_n3A_502 : vector<16xf32>, vector<16xi32>, vector<16xf32>
      }
      %scan3A_66 = arith.constant 8 : i32
      %abs3A = math.absf %scan3A_65#0 : vector<16xf32>
      %jit3A = arith.constant 0.000000e+00 : f32
      %broadcast_in_dim3A_67 = vector.broadcast %jit3A : f32 to vector<16xf32>
      %select_n3A = arith.select %lt3A_11, %abs3A, %broadcast_in_dim3A_67 : vector<16xi1>, vector<16xf32>
      %reduce_sum3A = arith.constant true
      %reduce_sum3A_68 = vector.broadcast %reduce_sum3A : i1 to vector<16xi1>
      %reduce_sum3A_69 = tpu.scan <sum>, %select_n3A masked %reduce_sum3A_68 : vector<16xf32>, vector<16xi1> -> vector<16xf32>
      %reduce_sum3A_70 = vector.extract %reduce_sum3A_69[15] : f32 from vector<16xf32>
      %broadcast_in_dim3A_71 = vector.broadcast %reduce_sum3A_70 : f32 to vector<16xf32>
      %max3A = arith.constant 9.99999996E-13 : f32
      %max3A_72 = vector.broadcast %max3A : f32 to vector<16xf32>
      %max3A_73 = arith.maximumf %broadcast_in_dim3A_71, %max3A_72 : vector<16xf32>
      %div3A = arith.constant 1.000000e+00 : f32
      %div3A_74 = vector.broadcast %div3A : f32 to vector<16xf32>
      %div3A_75 = arith.divf %div3A_74, %max3A_73 : vector<16xf32>
      %gt3A = arith.cmpi sgt, %add3A_40, %mul3A_13 : i32
      %convert_element_type3A_76 = arith.extui %gt3A : i1 to i32
      %cond3A_77 = arith.constant 0 : i32
      %cond3A_78 = arith.cmpi ne, %convert_element_type3A_76, %cond3A_77 : i32
      scf.if %cond3A_78 {
        %sub3A_86 = arith.constant 1 : i32
        %sub3A_87 = arith.subi %add3A_40, %sub3A_86 : i32
        %dma_wait3A_88 = arith.constant 0 : i32
        %dma_wait3A_89 = tpu.memref_slice %arg3[%sub3A_87, %dma_wait3A_88] : memref<128x32768xf32, #tpu.memory_space<hbm>> -> memref<1x32768xf32, #tpu.memory_space<hbm>>
        %dma_wait3A_90 = tpu.memref_squeeze %dma_wait3A_89 : memref<1x32768xf32, #tpu.memory_space<hbm>> -> memref<32768xf32, #tpu.memory_space<hbm>>
        %dma_wait3A_91 = arith.constant 0 : i32
        %dma_wait3A_92 = tpu.memref_slice %arg3[%sub3A_87, %dma_wait3A_91] : memref<128x32768xf32, #tpu.memory_space<hbm>> -> memref<1x32768xf32, #tpu.memory_space<hbm>>
        %dma_wait3A_93 = tpu.memref_squeeze %dma_wait3A_92 : memref<1x32768xf32, #tpu.memory_space<hbm>> -> memref<32768xf32, #tpu.memory_space<hbm>>
        tpu.wait_dma2 semaphore(%arg8 : memref<!tpu.dma_semaphore, #tpu.memory_space<semaphore_mem>>) src(%arg5 : memref<32768xf32, #tpu.memory_space<vmem>>) dst(%dma_wait3A_93 : memref<32768xf32, #tpu.memory_space<hbm>>)
        tpu.vector_store_idx %arg5[%scan3A_39], %broadcast_in_dim3A_1 masked %lt3A_11 : memref<32768xf32, #tpu.memory_space<vmem>>[vector<16xi32>], vector<16xf32>, vector<16xi1>
      } else {
      }
      %mul3A_79 = arith.mulf %scan3A_65#0, %div3A_75 : vector<16xf32>
      tpu.vector_store_idx %arg5[%scan3A_65#1], %mul3A_79 masked %lt3A_11 : memref<32768xf32, #tpu.memory_space<vmem>>[vector<16xi32>], vector<16xf32>, vector<16xi1>
      %dma_start3A_80 = arith.constant 0 : i32
      %dma_start3A_81 = tpu.memref_slice %arg3[%add3A_40, %dma_start3A_80] : memref<128x32768xf32, #tpu.memory_space<hbm>> -> memref<1x32768xf32, #tpu.memory_space<hbm>>
      %dma_start3A_82 = tpu.memref_squeeze %dma_start3A_81 : memref<1x32768xf32, #tpu.memory_space<hbm>> -> memref<32768xf32, #tpu.memory_space<hbm>>
      %dma_start3A_83 = arith.constant 0 : i32
      %dma_start3A_84 = tpu.memref_slice %arg3[%add3A_40, %dma_start3A_83] : memref<128x32768xf32, #tpu.memory_space<hbm>> -> memref<1x32768xf32, #tpu.memory_space<hbm>>
      %dma_start3A_85 = tpu.memref_squeeze %dma_start3A_84 : memref<1x32768xf32, #tpu.memory_space<hbm>> -> memref<32768xf32, #tpu.memory_space<hbm>>
      tpu.enqueue_dma source(%arg5 : memref<32768xf32, #tpu.memory_space<vmem>>) target(%dma_start3A_85 : memref<32768xf32, #tpu.memory_space<hbm>>) target_semaphore(%arg8 : memref<!tpu.dma_semaphore, #tpu.memory_space<semaphore_mem>>)
      scf.yield %scan3A_65#1 : vector<16xi32>
    }
    %scan3A_29 = arith.constant 4 : i32
    %add3A_30 = arith.constant 4 : i32
    %add3A_31 = arith.addi %mul3A_13, %add3A_30 : i32
    %sub3A = arith.constant 1 : i32
    %sub3A_32 = arith.subi %add3A_31, %sub3A : i32
    %dma_wait3A = arith.constant 0 : i32
    %dma_wait3A_33 = tpu.memref_slice %arg3[%sub3A_32, %dma_wait3A] : memref<128x32768xf32, #tpu.memory_space<hbm>> -> memref<1x32768xf32, #tpu.memory_space<hbm>>
    %dma_wait3A_34 = tpu.memref_squeeze %dma_wait3A_33 : memref<1x32768xf32, #tpu.memory_space<hbm>> -> memref<32768xf32, #tpu.memory_space<hbm>>
    %dma_wait3A_35 = arith.constant 0 : i32
    %dma_wait3A_36 = tpu.memref_slice %arg3[%sub3A_32, %dma_wait3A_35] : memref<128x32768xf32, #tpu.memory_space<hbm>> -> memref<1x32768xf32, #tpu.memory_space<hbm>>
    %dma_wait3A_37 = tpu.memref_squeeze %dma_wait3A_36 : memref<1x32768xf32, #tpu.memory_space<hbm>> -> memref<32768xf32, #tpu.memory_space<hbm>>
    tpu.wait_dma2 semaphore(%arg8 : memref<!tpu.dma_semaphore, #tpu.memory_space<semaphore_mem>>) src(%arg5 : memref<32768xf32, #tpu.memory_space<vmem>>) dst(%dma_wait3A_37 : memref<32768xf32, #tpu.memory_space<hbm>>)
    return
  }
}

</mosaic_0001>

<sc_bundles>
// kernel: kernel.3.cloned.1.call-start
scs
__scs_entry_jumppad:
0x0: {  	(pc) =	sbr.rel $0x88, $3  }
0x1: {  	(tag) =	ssettag $0x0;
	lr =	simm.s32 $0x1  }
0x2: {  	[smem:$0x3FA0] =	sst lr;
	_ =	strace $0xD0000000  }
0x3: {  	_ = 	snop  }
0x4: {  	_ = 	snop  }
0x5: {  	_ = 	snop  }
0x6: {  	_ = 	snop  }
0x7: {  	_ = 	snop  }
__scs_overlays_trampoline_lowered:
0x8: {  	[smem:$0x3FAF] =	sst s0  }
0x9: {  	[smem:$0x3FB0] =	sst s1  }
0xa: {  	[smem:$0x3FB1] =	sst s2  }
0xb: {  	[smem:$0x3FB2] =	sst s3  }
0xc: {  	[smem:$0x3FB3] =	sst s4  }
0xd: {  	[smem:$0x3FB4] =	sst s5  }
0xe: {  	[smem:$0x3FB5] =	sst s6  }
0xf: {  	[smem:$0x3FB6] =	sst s7  }
0x10: {  	[smem:$0x3FB7] =	sst s8  }
0x11: {  	[smem:$0x3FB8] =	sst s9;
	s0 =	simm.s32 @!p0 $0x0  }
0x12: {  	s1 =	sld [smem:$0x3F9E];
	s0 =	simm.s32 @p0 $0x1  }
0x13: {  	[smem:$0x3FB9] =	sst s0;
	s0 =	simm.s32 @!p1 $0x0  }
0x14: {  	s2 =	sld [smem:$0x3F9D];
	s0 =	simm.s32 @p1 $0x1  }
0x15: {  	[smem:$0x3FBA] =	sst s0;
	s0 =	simm.s32 @!p2 $0x0  }
0x16: {  	s3 =	sld [smem:$0x3FDB];
	s0 =	simm.s32 @p2 $0x1  }
0x17: {  	s4 =	simm.s32 $0x1BF5;
	[smem:$0x3FBC] =	sst s0  }
0x18: {  	s0 =	sld [smem:$0x3F9F];
	_ =	swait.ge [sflag:s4], $0x0  }
0x19: {  	s7 =	sld [smem:$0x3FA0]  }
0x1a: {  	s8 =	sadd.s32 $0xFFFFE003, lr  }
0x1b: {  	s9 =	sadd.s32 $0xFFFFFEF7, lr;
	s5 =	simm.s32 $0xFFFFFFFF;
	p2 =	slt.u32 s8, $0xFFFFF086  }
0x1c: {  	p1 =	slt.u32 s9, $0xF7A;
	s5 =	simm.s32 @!p2 $0x0  }
0x1d: {  	s5 =	simm.s32 @p1 $0x1;
	p0 =	seq.s32 s7, s2  }
0x1e: {  	s7 =	smul.u32 @!p0 $0xF7A, s2;
	p2 =	seq.s32 @!p0 s5, $0x0  }
0x1f: {  	s9 =	smul.u32 $0xF7A, s1;
	s8 =	simm.s32 @!p0 $0x1BF5;
	p2 =	por !p2, p0  }
0x20: {  	[sflag:s8] =	ssyncset.s32 @!p0 $0xFFFFF086;
	s6 =	sadd.s32 @!p0 s3, s7;
	s7 =	simm.s32 @!p0 $0x108  }
0x21: {  	s3 =	sadd.s32 s3, s9;
	s6 =	sadd.s32 @!p0 $0x88, s6;
	s7 =	simm.s32 @p2 $0x1082  }
0x22: {  	[simem:s7], [sflag:s8] =	dma.local @!p0 [hbm:s6], $0xF7A  }
0x23: {  	s9 =	sor.u32 $0xD0000000, s2;
	s6 =	simm.s32 $0x108;
	_ =	swait.ge @!p0 [sflag:s8], $0x0  }
0x24: {  	s3 =	sadd.s32 $0x88, s3;
	s6 =	simm.s32 @!p1 $0x1082;
	[sflag:s4] =	ssyncset.s32 $0xFFFFF086  }
0x25: {  	[simem:s6], [sflag:s4] =	dma.local [hbm:s3], $0xF7A  }
0x26: {  	[smem:$0x3FA0] =	sst s1;
	(tag) =	ssettag s2;
	_ =	strace s9  }
0x27: {  	s1 =	sld [smem:$0x3FB0]  }
0x28: {  	s2 =	sld [smem:$0x3FB1]  }
0x29: {  	s4 =	sld [smem:$0x3FB3]  }
0x2a: {  	p0 =	seq.s32 s5, $0x0;
	s5 =	sld [smem:$0x3FB4]  }
0x2b: {  	s6 =	sld [smem:$0x3FB5]  }
0x2c: {  	s7 =	sld [smem:$0x3FB6]  }
0x2d: {  	s3 =	simm.s32 $0x108;
	s8 =	sld [smem:$0x3FB7]  }
0x2e: {  	s3 =	simm.s32 @!p0 $0x1082;
	s9 =	sld [smem:$0x3FB8]  }
0x2f: {  	lr =	sadd.s32 s0, s3;
	s0 =	sld [smem:$0x3FAF]  }
0x30: {  	s3 =	sld [smem:$0x3FB2]  }
0x31: {  	[smem:$0x3FBB] =	sst s10  }
0x32: {  	s10 =	sld [smem:$0x3FB9];
	_ =	sdelay $0x3  }
0x33: {  	p0 =	seq.s32 s10, $0x1;
	s10 =	sld [smem:$0x3FBB];
	_ =	sdelay $0x3  }
0x34: {  	[smem:$0x3FBB] =	sst s10  }
0x35: {  	s10 =	sld [smem:$0x3FBA];
	_ =	sdelay $0x3  }
0x36: {  	p1 =	seq.s32 s10, $0x1;
	s10 =	sld [smem:$0x3FBB];
	_ =	sdelay $0x3  }
0x37: {  	[smem:$0x3FBB] =	sst s10  }
0x38: {  	s10 =	sld [smem:$0x3FBC]  }
0x39: {  	_ = 	snop;
	(pc) =	sbr.ind lr, $3  }
0x3a: {  	_ = 	snop  }
0x3b: {  	_ = 	snop  }
0x3c: {  	p2 =	seq.s32 s10, $0x1;
	s10 =	sld [smem:$0x3FBB]  }
0x3d: {  	_ =	shalt  }
0x3e: {  	_ =	shalt  }
0x3f: {  	_ =	shalt  }
0x40: {  	_ =	shalt  }
0x41: {  	_ =	shalt  }
0x42: {  	_ =	shalt  }
0x43: {  	_ =	shalt  }
0x44: {  	_ =	shalt  }
0x45: {  	_ =	shalt  }
0x46: {  	_ =	shalt  }
0x47: {  	_ =	shalt  }
0x48: {  	_ =	shalt  }
0x49: {  	_ =	shalt  }
0x4a: {  	_ =	shalt  }
0x4b: {  	_ =	shalt  }
0x4c: {  	_ =	shalt  }
0x4d: {  	_ =	shalt  }
0x4e: {  	_ =	shalt  }
0x4f: {  	_ =	shalt  }
0x50: {  	_ =	shalt  }
0x51: {  	_ =	shalt  }
0x52: {  	_ =	shalt  }
0x53: {  	_ =	shalt  }
0x54: {  	_ =	shalt  }
0x55: {  	_ =	shalt  }
0x56: {  	_ =	shalt  }
0x57: {  	_ =	shalt  }
0x58: {  	_ =	shalt  }
0x59: {  	_ =	shalt  }
0x5a: {  	_ =	shalt  }
0x5b: {  	_ =	shalt  }
0x5c: {  	_ =	shalt  }
0x5d: {  	_ =	shalt  }
0x5e: {  	_ =	shalt  }
0x5f: {  	_ =	shalt  }
0x60: {  	_ =	shalt  }
0x61: {  	_ =	shalt  }
0x62: {  	_ =	shalt  }
0x63: {  	_ =	shalt  }
0x64: {  	_ =	shalt  }
0x65: {  	_ =	shalt  }
0x66: {  	_ =	shalt  }
0x67: {  	_ =	shalt  }
0x68: {  	_ =	shalt  }
0x69: {  	_ =	shalt  }
0x6a: {  	_ =	shalt  }
0x6b: {  	_ =	shalt  }
0x6c: {  	_ =	shalt  }
0x6d: {  	_ =	shalt  }
0x6e: {  	_ =	shalt  }
0x6f: {  	_ =	shalt  }
0x70: {  	_ =	shalt  }
0x71: {  	_ =	shalt  }
0x72: {  	_ =	shalt  }
0x73: {  	_ =	shalt  }
0x74: {  	_ =	shalt  }
0x75: {  	_ =	shalt  }
0x76: {  	_ =	shalt  }
0x77: {  	_ =	shalt  }
0x78: {  	_ =	shalt  }
0x79: {  	_ =	shalt  }
0x7a: {  	_ =	shalt  }
0x7b: {  	_ =	shalt  }
0x7c: {  	_ =	shalt  }
0x7d: {  	_ =	shalt  }
0x7e: {  	_ =	shalt  }
0x7f: {  	_ =	shalt  }
0x80: {  	_ =	shalt  }
0x81: {  	_ =	shalt  }
0x82: {  	_ =	shalt  }
0x83: {  	_ =	shalt  }
0x84: {  	_ =	shalt  }
0x85: {  	_ =	shalt  }
0x86: {  	_ =	shalt  }
0x87: {  	_ =	shalt  }
.Lfunc_end0:
.L_simem_size_0:
called_computation_lowered:
.L_overlay_start_0:
0x88: {  	s2 =	sld [smem:$0x3FD9]  }
0x89: {  	s3 =	sld [smem:$0x3FFE];
	_ =	sdelay $0x1  }
0x8a: {  	s1 =	srdreg.scid  }
0x8b: {  	s0 =	sand.u32 $0x1, s1  }
0x8c: {  	s18 =	sshll.u32 s0, $0xA;
	s2 =	sadd.s32 s3, s2  }
0x8d: {  	s2 =	sadd.s32 s2, s18  }
0x8e: {  	[smem:$0x3FC7] =	sst s2  }
0x8f: {  	_ = 	snop  }
0x90: {  	s2 =	sld [smem:$0x3FC9]  }
0x91: {  	s19 =	sld [smem:$0x3FD0];
	(tm) =	ssettm $0x1  }
0x92: {  	s4 =	sld [smem:$0x3FFB];
	_ =	sdelay $0x3  }
0x93: {  	_ =	strace s4  }
0x94: {  	s4 =	sld [smem:$0x3FFC];
	_ =	sdelay $0x3  }
0x95: {  	_ =	strace s4  }
0x96: {  	s4 =	sld [smem:$0x3FFD];
	_ =	sdelay $0x3  }
0x97: {  	_ =	strace s4  }
0x98: {  	_ =	strace $0x8FFFFFFF  }
0x99: {  	s20 =	sld [smem:$0x3FDB];
	_ =	sdelay $0x1  }
0x9a: {  	s5 =	simm.s32 $_scs_section_size  }
0x9b: {  	s6 =	simm.s32 $_size__tile_overlayer_lowered;
	s7 =	simm.s32 $_tile_overlayer_lowered  }
0x9c: {  	s23 =	simm.s32 $0x1BFF;
	s22 =	sshll.u32 s7, $0x1;
	s4 =	sadd.s32 s5, s20  }
0x9d: {  	s8 =	simm.s32 $0x0;
	s21 =	sshll.u32 s6, $0x1;
	s6 =	sadd.s32 s22, s4  }
0x9e: {  	[timem:s8], [sflag:s23] =	dma.local [hbm:s6], s21  }
0x9f: {  	_ =	swait.ge [sflag:s23], s21  }
0xa0: {  	s5 =	ssub.s32 $0x0, s21;
	[sflag:s23] =	ssyncset.done $0x0  }
0xa1: {  	[sflag:s23] =	ssyncadd.s32 s5;
	_ =	sdelay $0x1  }
0xa2: {  	s24 =	simm.s32 $0x1B8B  }
0xa3: {  	_ =	swait.ge [sflag:s24], $0x1  }
0xa4: {  	[sflag:s24] =	ssyncset.done $0x0  }
0xa5: {  	s25 =	simm.s32 $0x1B8E;
	[sflag:s24] =	ssyncadd.s32 $0xFFFFFFFF  }
0xa6: {  	s26 =	simm.s32 $execute0_lowered;
	[smem:$0x3FD2] =	sst s25  }
0xa7: {  	s5 =	sshll.u32 s26, $0x1;
	_ =	strace $0x80000046;
	[dreg:$0x1] =	wrdreg $0xFFFFFFFF  }
0xa8: {  	s28 =	simm.s32 $_size_execute0_lowered;
	s4 =	sadd.s32 s4, s5;
	[dreg:$0x0] =	wrdreg $0x0  }
0xa9: {  	s5 =	sshll.u32 s28, $0x1;
	[dreg:$0x2] =	wrdreg s4  }
0xaa: {  	[dreg:$0x3] =	wrdreg s5  }
0xab: {  	[dreg:$0x4] =	wrdreg $0xC0  }
0xac: {  	_ =	task [dreg:s8], $0x5FFFF  }
0xad: {  	[dreg:$0x1] =	wrdreg $0xFFFFFFFF  }
0xae: {  	[dreg:$0x0] =	wrdreg $0x60  }
0xaf: {  	[dreg:$0x2] =	wrdreg s2  }
0xb0: {  	[dreg:$0x3] =	wrdreg s19  }
0xb1: {  	[dreg:$0x4] =	wrdreg $0x9  }
0xb2: {  	_ =	task.clear_ibuf [dreg:s8], $0x5FFFF;
	_ =	strace $0x90000046  }
0xb3: {  	s29 =	simm.s32 $0x9;
	_ =	strace $0x80000048  }
0xb4: {  	_ =	swait.ge [sflag:s29], $0x1  }
0xb5: {  	[sflag:s29] =	ssyncadd.s32 $0xFFFFFFFF  }
0xb6: {  	_ =	strace $0x90000048  }
0xb7: {  	_ =	sfence  }
0xb8: {  	s30 =	sld [smem:$0x0];
	_ =	sdelay $0x2  }
0xb9: {  	s31 =	sshll.u32 s1, $0xD;
	s1 =	sshrl.u32 s1, $0x2  }
0xba: {  	s3 =	sand.u32 $0x4000, s31;
	s1 =	sadd.s32 s1, s30  }
0xbb: {  	s0 =	sor.u32 s3, s0;
	s1 =	sshll.u32 s1, $0x11  }
0xbc: {  	s0 =	sor.u32 s1, s0  }
0xbd: {  	s0 =	sadd.s32 $0x8F2B, s0  }
0xbe: {  	[sflag:s0] =	ssyncadd.remote.s32 $0x1  }
0xbf: {  	_ =	sfence.sel $0xFFFF  }
0xc0: {  	[dreg:$0x0] =	wrdreg $0xFFFFFFFF;
	(pc) =	sbr.abs _section_cstart, $3  }
0xc1: {  	[dreg:$0x1] =	wrdreg $0xFFFFFFFF  }
0xc2: {  	_ =	task.clear_ibuf [dreg:s8], $0x2FFFF;
	_ =	strace $0x9FFFFFFF  }
0xc3: {  	(tm) =	ssettm $0x7FFFFFFF  }
tec
execute0_lowered:
.L_overlay_start_1:
0x0: {  	(tag) =	ssettag $0x1  }
0x1: {  	s1 =	rddreg [dreg:$0x0]  }
0x2: {  	s0 =	srdreg.scid;
	s6 =	rddreg [dreg:$0x1]  }
0x3: {  	s2 =	simm.s32 $0x0;
	s3 =	stileid.u32;
	s10 =	simm.s32 $0x1  }
0x4: {  	s11 =	simm.s32 $0x10000;
	s4 =	sand.u32 $0x1, s0;
	s0 =	rddreg [dreg:$0x2]  }
0x5: {  	s12 =	simm.s32 $0x2;
	s13 =	simm.s32 $0x0;
	[smem:$0x7FF] =	sst s2  }
0x6: {  	s29 =	sshll.u32 s3, $0x3;
	s30 =	sshll.u32 s3, $0xF;
	s5 =	ssub.s32 $0x2, s4  }
0x7: {  	_ =	strace $0x80000047;
	s8 =	sshll.u32 s4, $0x2;
	s9 =	sshll.u32 s4, $0x6  }
0x8: {  	s6 =	sadd.s32 s6, s30;
	s7 =	sshrl.u32 s5, $0x1;
	s4 =	sor.u32 s8, s29  }
0x9: {  	v0 =	vimm.f32 $0.0e+00;
	v1 =	vlaneseq.u32;
	s31 =	sadd.s32 s1, s9;
	s8 =	simm.s32 $0x80;
	s7 =	ssub.s32 s5, s7  }
0xa: {  	v3 =	vimm.s32 $0x0;
	v4 =	vimm.f32 $-Inf;
	v2 =	vor.u32 $0x80000000, v1;
	s9 =	simm.s32 $0x400;
	s5 =	sadd.s32 s30, s31;
	s7 =	smax.u32 s7, $0x1  }
.LBB2_1:
0xb: {  	[tilespmem:s2], [sflag:$0x1] =	stream.strided.gather [hbm4b:s5+s8], $0x8000, s9, s8, $0x38;
	[tilespmem:$0x18800] =	vst v63  }
0xc: {  	s14 =	simm.s32 $0x0;
	s15 =	simm.s32 $0x400  }
.LBB2_2:
0xd: {  	p0 =	sne.s32 s15, $0x1FC00;
	[tilespmem:s14+$0x100F0] =	vst v0  }
0xe: {  	[tilespmem:s14+$0x10000] =	vst v0  }
0xf: {  	[tilespmem:s14+$0x10010] =	vst v0  }
0x10: {  	[tilespmem:s14+$0x10020] =	vst v0  }
0x11: {  	[tilespmem:s14+$0x10030] =	vst v0  }
0x12: {  	[tilespmem:s14+$0x10040] =	vst v0  }
0x13: {  	[tilespmem:s14+$0x10050] =	vst v0  }
0x14: {  	[tilespmem:s14+$0x10060] =	vst v0  }
0x15: {  	[tilespmem:s14+$0x10070] =	vst v0  }
0x16: {  	[tilespmem:s14+$0x10080] =	vst v0  }
0x17: {  	[tilespmem:s14+$0x10090] =	vst v0  }
.Ltmp0:
0x18: {  	[tilespmem:s14+$0x100A0] =	vst v0;
	(pc) =	sbr.rel @p0 .LBB2_2-.Ltmp0, $4  }
0x19: {  	[tilespmem:s14+$0x100B0] =	vst v0  }
0x1a: {  	[tilespmem:s14+$0x100C0] =	vst v0  }
0x1b: {  	[tilespmem:s14+$0x100D0] =	vst v0  }
0x1c: {  	[tilespmem:s14+$0x100E0] =	vst v0;
	s14 =	sshra.s32 s15, $0x2;
	s15 =	sadd.s32 $0x400, s15  }
0x1d: {  	[tilespmem:s14+$0x100F0] =	vst v0  }
0x1e: {  	[tilespmem:s14+$0x10000] =	vst v0  }
0x1f: {  	[tilespmem:s14+$0x10010] =	vst v0  }
0x20: {  	[tilespmem:s14+$0x10020] =	vst v0  }
0x21: {  	[tilespmem:s14+$0x10030] =	vst v0  }
0x22: {  	[tilespmem:s14+$0x10040] =	vst v0  }
0x23: {  	[tilespmem:s14+$0x10050] =	vst v0  }
0x24: {  	[tilespmem:s14+$0x10060] =	vst v0  }
0x25: {  	[tilespmem:s14+$0x10070] =	vst v0  }
0x26: {  	[tilespmem:s14+$0x10080] =	vst v0  }
0x27: {  	[tilespmem:s14+$0x10090] =	vst v0  }
0x28: {  	[tilespmem:s14+$0x100A0] =	vst v0  }
0x29: {  	[tilespmem:s14+$0x100B0] =	vst v0  }
0x2a: {  	[tilespmem:s14+$0x100C0] =	vst v0  }
0x2b: {  	[tilespmem:s14+$0x100D0] =	vst v0  }
0x2c: {  	[tilespmem:s14+$0x100E0] =	vst v0;
	s14 =	simm.s32 $0x0;
	v5 =	vimm.s32 $0x0;
	p0 =	por $0x0, $0x0  }
.LBB2_4:
0x2d: {  	s15 =	simm.s32 $0x1  }
0x2e: {  	s18 =	sadd.s32 s4, s14;
	p1 =	seq.s32 s14, $0x3;
	s16 =	sshll.u32 s14, $0xF  }
0x2f: {  	_ =	swait.ge [sflag:s10], $0x8000;
	s15 =	simm.s32 @!p0 $0x0;
	s17 =	sadd.s32 @!p1 $0x1, s18  }
0x30: {  	s16 =	sand.u32 $0x8000, s16;
	[sflag:s10] =	ssyncset.done $0x0;
	s21 =	simm.s32 @!p1 $0x400  }
0x31: {  	s31 =	sshll.u32 s18, $0x4;
	s18 =	simm.s32 $0x18000;
	s19 =	sshll.u32 @!p1 s17, $0x4  }
0x32: {  	s15 =	sshll.u32 s15, $0xF;
	s17 =	sshll.u32 @!p1 s17, $0xC;
	s19 =	sand.u32 @!p1 $0x70, s19  }
0x33: {  	[sflag:s10] =	ssyncadd.s32 $0xFFFF8000;
	s17 =	sand.u32 @!p1 $0xFFF8000, s17;
	s19 =	sadd.s32 @!p1 s1, s19  }
0x34: {  	s20 =	ssub.s32 @!p1 $0x8000, s16;
	s17 =	sadd.s32 @!p1 s17, s19;
	s19 =	simm.s32 @!p1 $0x80  }
0x35: {  	[tilespmem:s20], [sflag:$0x1] =	stream.strided.gather @!p1 [hbm4b:s17+s19], $0x8000, s21, s19, $0x38;
	[tilespmem:$0x18800] =	vst v63  }
0x36: {  	v6 =	vimm.f32 $-Inf;
	s17 =	sor.u32 $0x80, s15;
	s15 =	sand.u32 $0x70, s31;
	s19 =	simm.s32 $0x0  }
.LBB2_5:
0x37: {  	v14 =	vld [tilespmem:s17+$0xFFFFFF80]  }
0x38: {  	v16 =	vld [tilespmem:s17+$0xFFFFFF90]  }
0x39: {  	v8 =	vld [tilespmem:s17+$0xFFFFFFA0]  }
0x3a: {  	v10 =	vld [tilespmem:s17+$0xFFFFFFB0]  }
0x3b: {  	v11 =	vld [tilespmem:s17+$0xFFFFFFC0]  }
0x3c: {  	v12 =	vld [tilespmem:s17+$0xFFFFFFD0]  }
0x3d: {  	v13 =	vld [tilespmem:s17+$0xFFFFFFE0]  }
0x3e: {  	v15 =	vld [tilespmem:s17+$0xFFFFFFF0]  }
0x3f: {  	v17 =	vld [tilespmem:s17+$0x0]  }
0x40: {  	v18 =	vld [tilespmem:s17+$0x10]  }
0x41: {  	v19 =	vld [tilespmem:s17+$0x20]  }
0x42: {  	v21 =	vld [tilespmem:s17+$0x30]  }
0x43: {  	v20 =	vld [tilespmem:s17+$0x40]  }
0x44: {  	v22 =	vld [tilespmem:s17+$0x50]  }
0x45: {  	v23 =	vld [tilespmem:s17+$0x60]  }
0x46: {  	s20 =	simm.s32 $0x0;
	v7 =	vmov s18;
	v24 =	vld [tilespmem:s17+$0x70];
	s21 =	sadd.s32 $0x100, s17;
	s22 =	simm.s32 $0x40;
	v9 =	vimm.f32 $-Inf  }
.LBB2_6:
0x47: {  	v25 =	vld [tilespmem:s21+$0xFFFFFF80];
	p1 =	sne.s32 s22, $0x1C0  }
0x48: {  	v26 =	vld [tilespmem:s21+$0xFFFFFF90]  }
0x49: {  	v14 =	vmax.f32 v14, v16;
	v16 =	vmax.f32 v8, v10;
	v27 =	vmax.f32 v11, v12;
	v8 =	vld [tilespmem:s21+$0xFFFFFFA0]  }
0x4a: {  	v13 =	vmax.f32 v13, v15;
	v15 =	vmax.f32 v17, v18;
	v17 =	vmax.f32 v19, v21;
	v10 =	vld [tilespmem:s21+$0xFFFFFFB0]  }
0x4b: {  	v21 =	vmax.f32 v14, v16;
	v18 =	vmax.f32 v20, v22;
	v11 =	vld [tilespmem:s21+$0xFFFFFFC0];
	v19 =	vmax.f32 v23, v24  }
0x4c: {  	v15 =	vmax.f32 v15, v17;
	v20 =	vmax.f32 v27, v13;
	v12 =	vld [tilespmem:s21+$0xFFFFFFD0];
	v17 =	vmax.f32 v18, v19;
	v14 =	vmovc v25  }
0x4d: {  	v18 =	vmax.f32 v21, v20;
	v13 =	vld [tilespmem:s21+$0xFFFFFFE0];
	v17 =	vmax.f32 v15, v17;
	v16 =	vmov v26  }
0x4e: {  	s23 =	sshra.s32 s20, $0x2;
	s20 =	smov.u32 s22;
	v15 =	vld [tilespmem:s21+$0xFFFFFFF0];
	v18 =	vmax.f32 v18, v17  }
0x4f: {  	v17 =	vld [tilespmem:s21+$0x0];
	[tilespmem:v7+s23+$0x0 ss:$0x1] =	vst.idx.msk $0xffff, v18;
	v9 =	vmax.f32 v9, v18  }
0x50: {  	v18 =	vld [tilespmem:s21+$0x10]  }
0x51: {  	v19 =	vld [tilespmem:s21+$0x20]  }
.Ltmp1:
0x52: {  	v21 =	vld [tilespmem:s21+$0x30];
	(pc) =	sbr.rel @p1 .LBB2_6-.Ltmp1, $4  }
0x53: {  	v20 =	vld [tilespmem:s21+$0x40]  }
0x54: {  	v22 =	vld [tilespmem:s21+$0x50]  }
0x55: {  	v23 =	vld [tilespmem:s21+$0x60]  }
0x56: {  	s22 =	sadd.s32 $0x40, s22;
	v24 =	vld [tilespmem:s21+$0x70];
	s21 =	sadd.s32 $0x100, s21  }
0x57: {  	_ =	sdelay $0x1  }
0x58: {  	v14 =	vmax.f32 v14, v16;
	v8 =	vmax.f32 v8, v10;
	v53 =	vmax.f32 v11, v12  }
0x59: {  	v54 =	vmax.f32 v13, v15;
	v55 =	vmax.f32 v17, v18;
	v56 =	vmax.f32 v19, v21  }
0x5a: {  	v8 =	vmax.f32 v14, v8;
	v57 =	vmax.f32 v20, v22;
	v58 =	vmax.f32 v23, v24  }
0x5b: {  	v10 =	vmax.f32 v53, v54;
	v59 =	vmax.f32 v55, v56;
	v60 =	vmax.f32 v57, v58  }
0x5c: {  	v8 =	vmax.f32 v8, v10;
	v61 =	vmax.f32 v59, v60  }
0x5d: {  	v8 =	vmax.f32 v8, v61  }
0x5e: {  	v9 =	vmax.f32 v9, v8  }
0x5f: {  	(xrf0) =	vmax.scan.msk.f32 $0xffff, v9;
	_ =	sdelay $0x2  }
0x60: {  	v62 =	vmov s19;
	s19 =	sadd.s32 $0x1, s19  }
0x61: {  	p1 =	sne.s32 s19, $0x10  }
.Ltmp2:
0x62: {  	_ = 	snop;
	(pc) =	sbr.rel @p1 .LBB2_5-.Ltmp2, $4  }
0x63: {  	v63, _, _ =	vpop (xrf0)  }
0x64: {  	v10 =	vbroadcast v63, $0xF  }
0x65: {  	s20 =	sshra.s32 s20, $0x2;
	vm0 =	veq.s32 v62, v1  }
0x66: {  	s18 =	sadd.s32 $0x80, s18;
	s17 =	sadd.s32 $0x800, s17;
	[tilespmem:v7+s20+$0x0 ss:$0x1] =	vst.idx.msk $0xffff, v8;
	v6 =	vsel vm0, v10, v6  }
0x67: {  	s17 =	simm.s32 $0x0;
	v8 =	vimm.f32 $0.0e+00;
	v7 =	vimm.s32 $0x0;
	v9 =	vmov s16;
	s18 =	simm.s32 $0x0  }
.LBB2_9:
0x68: {  	(xrf0) =	vmax.scan.msk.f32 $0xffff, v6;
	_ =	sdelay $0x5  }
0x69: {  	v10, _, _ =	vpop (xrf0)  }
0x6a: {  	v10 =	vbroadcast v10, $0xF;
	_ =	sdelay $0x1  }
0x6b: {  	vm0 =	veq.f32 v6, v10  }
0x6c: {  	v11 =	vnsel vm0, $0x80000063, v2  }
0x6d: {  	(xrf0) =	vmin.scan.msk.u32 $0xffff, v11;
	_ =	sdelay $0x5  }
0x6e: {  	v11, _, _ =	vpop (xrf0)  }
0x6f: {  	(v2sf) =	vpush v11, $0xF;
	_ =	sdelay $0xe  }
0x70: {  	s19 =	spop (v2sf)  }
0x71: {  	s20 =	sshll.u32 s19, $0x9  }
0x72: {  	s20 =	sshra.s32 s20, $0x2  }
0x73: {  	s21 =	sadd.s32 $0x18000, s20  }
0x74: {  	v12 =	vld [tilespmem:s21+$0x0];
	_ =	sdelay $0x4  }
0x75: {  	s22 =	simm.s32 $0x1;
	v11 =	vimm.s32 $0x63;
	s23 =	sadd.s32 $0x10, s21;
	vm0 =	veq.f32 v12, v10;
	v12 =	vmov s17  }
.LBB2_10:
0x76: {  	v13 =	vld [tilespmem:s23+$0x0];
	p1 =	sne.s32 s22, $0x7;
	v12 =	vnsel vm0, $0x63, v12;
	s24 =	smov.u32 s22;
	s22 =	sadd.s32 $0x1, s22  }
.Ltmp3:
0x77: {  	vm0 =	vlt.s32 v11, v12;
	(pc) =	sbr.rel @p1 .LBB2_10-.Ltmp3, $2  }
0x78: {  	v11 =	vsel vm0, v11, v12;
	_ =	sdelay $0x2  }
0x79: {  	s23 =	sadd.s32 $0x10, s23;
	v12 =	vmov s24;
	vm0 =	veq.f32 v13, v10  }
0x7a: {  	v12 =	vnsel vm0, $0x63, v12  }
0x7b: {  	vm0 =	vlt.s32 v11, v12  }
0x7c: {  	v11 =	vsel vm0, v11, v12  }
0x7d: {  	v11 =	vxor.u32 $0x80000000, v11  }
0x7e: {  	(xrf0) =	vmin.scan.msk.u32 $0xffff, v11;
	_ =	sdelay $0x5  }
0x7f: {  	v11, _, _ =	vpop (xrf0)  }
0x80: {  	(v2sf) =	vpush v11, $0xF;
	_ =	sdelay $0xe  }
0x81: {  	s22 =	spop (v2sf)  }
0x82: {  	s23 =	sshll.u32 s19, $0xB;
	s24 =	sshll.u32 s22, $0x8  }
0x83: {  	s23 =	sadd.s32 s23, s24  }
0x84: {  	v11 =	vld.idx.msk [tilespmem:v9+s23+$0x0 ss:$0x1], $0xffff;
	_ =	sdelay $0x1  }
0x85: {  	v36 =	vld.idx.msk [tilespmem:v9+s23+$0x10 ss:$0x1], $0xffff  }
0x86: {  	v13 =	vor.u32 s23, v1;
	v14 =	vld.idx.msk [tilespmem:v9+s23+$0x20 ss:$0x1], $0xffff  }
0x87: {  	vm1 =	vlt.s32 v13, $0x40000000  }
0x88: {  	s24 =	sor.u32 $0x10, s23;
	v37 =	vld.idx.msk [tilespmem:v9+s23+$0x30 ss:$0x1], $0xffff;
	v13 =	vnsel vm1, $0x40000000, v13;
	vm9 =	veq.f32 v11, v10  }
0x89: {  	s28 =	sor.u32 $0x20, s23;
	v16 =	vor.u32 s24, v1;
	v13 =	vnsel vm9, $0x40000000, v13  }
0x8a: {  	v17 =	vld.idx.msk [tilespmem:v9+s23+$0x40 ss:$0x1], $0xffff;
	v18 =	vor.u32 s28, v1;
	vm2 =	vlt.s32 v13, v16  }
0x8b: {  	vm1 =	veq.f32 v36, v10;
	v16 =	vsel vm2, v13, v16;
	vm2 =	veq.f32 v14, v10  }
0x8c: {  	s29 =	sor.u32 $0x30, s23;
	v39 =	vld.idx.msk [tilespmem:v9+s23+$0x50 ss:$0x1], $0xffff;
	v13 =	vsel vm1, v16, v13;
	v38 =	vnsel vm2, $0x40000000, v18  }
0x8d: {  	v19 =	vor.u32 s29, v1;
	vm3 =	veq.f32 v37, v10;
	vm4 =	vlt.s32 v13, v38  }
0x8e: {  	s30 =	sor.u32 $0x40, s23;
	v41 =	vld.idx.msk [tilespmem:v9+s23+$0x60 ss:$0x1], $0xffff;
	v40 =	vnsel vm3, $0x40000000, v19;
	v13 =	vsel vm4, v13, v38  }
0x8f: {  	v20 =	vor.u32 s30, v1;
	vm4 =	veq.f32 v17, v10;
	vm5 =	vlt.s32 v13, v40  }
0x90: {  	s31 =	sor.u32 $0x50, s23;
	v43 =	vld.idx.msk [tilespmem:v9+s23+$0x70 ss:$0x1], $0xffff;
	v42 =	vnsel vm4, $0x40000000, v20;
	v13 =	vsel vm5, v13, v40  }
0x91: {  	v21 =	vor.u32 s31, v1;
	vm5 =	veq.f32 v39, v10;
	vm6 =	vlt.s32 v13, v42  }
0x92: {  	s25 =	sor.u32 $0x60, s23;
	v45 =	vld.idx.msk [tilespmem:v9+s23+$0x80 ss:$0x1], $0xffff;
	v44 =	vnsel vm5, $0x40000000, v21;
	v13 =	vsel vm6, v13, v42  }
0x93: {  	v22 =	vor.u32 s25, v1;
	vm6 =	veq.f32 v41, v10;
	vm7 =	vlt.s32 v13, v44  }
0x94: {  	v15 =	vimm.s32 $0x0;
	s26 =	sor.u32 $0x70, s23;
	v47 =	vld.idx.msk [tilespmem:v9+s23+$0x90 ss:$0x1], $0xffff;
	v46 =	vnsel vm6, $0x40000000, v22;
	v13 =	vsel vm7, v13, v44  }
0x95: {  	v23 =	vor.u32 s26, v1;
	s28 =	sor.u32 $0x80, s23;
	vm7 =	veq.f32 v43, v10;
	vm8 =	vlt.s32 v13, v46  }
0x96: {  	v49 =	vld.idx.msk [tilespmem:v9+s23+$0xA0 ss:$0x1], $0xffff;
	v24 =	vor.u32 s28, v1;
	v48 =	vnsel vm7, $0x40000000, v23;
	v13 =	vsel vm8, v13, v46  }
0x97: {  	v15 =	vsel vm9, $0xFFFFFFFF, v15;
	vm8 =	veq.f32 v45, v10;
	vm9 =	vlt.s32 v13, v48  }
0x98: {  	v51 =	vld.idx.msk [tilespmem:v9+s23+$0xB0 ss:$0x1], $0xffff;
	s29 =	sor.u32 $0x90, s23;
	v50 =	vnsel vm8, $0x40000000, v24;
	v13 =	vsel vm9, v13, v48  }
0x99: {  	v25 =	vor.u32 s29, v1;
	vm9 =	veq.f32 v47, v10;
	vm10 =	vlt.s32 v13, v50  }
0x9a: {  	v53 =	vld.idx.msk [tilespmem:v9+s23+$0xC0 ss:$0x1], $0xffff;
	s30 =	sor.u32 $0xA0, s23;
	v52 =	vnsel vm9, $0x40000000, v25;
	v13 =	vsel vm10, v13, v50  }
0x9b: {  	v26 =	vor.u32 s30, v1;
	vm10 =	veq.f32 v49, v10;
	vm11 =	vlt.s32 v13, v52  }
0x9c: {  	v55 =	vld.idx.msk [tilespmem:v9+s23+$0xD0 ss:$0x1], $0xffff;
	s31 =	sor.u32 $0xB0, s23;
	v54 =	vnsel vm10, $0x40000000, v26;
	v13 =	vsel vm11, v13, v52  }
0x9d: {  	v27 =	vor.u32 s31, v1;
	vm13 =	veq.f32 v51, v10;
	vm11 =	vlt.s32 v13, v54  }
0x9e: {  	v57 =	vld.idx.msk [tilespmem:v9+s23+$0xE0 ss:$0x1], $0xffff;
	s25 =	sor.u32 $0xC0, s23;
	v56 =	vnsel vm13, $0x40000000, v27;
	v13 =	vsel vm11, v13, v54  }
0x9f: {  	v28 =	vor.u32 s25, v1;
	vm15 =	veq.f32 v53, v10;
	vm11 =	vlt.s32 v13, v56  }
0xa0: {  	v59 =	vld.idx.msk [tilespmem:v9+s23+$0xF0 ss:$0x1], $0xffff;
	s26 =	sor.u32 $0xD0, s23;
	v58 =	vnsel vm15, $0x40000000, v28;
	v13 =	vsel vm11, v13, v56  }
0xa1: {  	v29 =	vor.u32 s26, v1;
	vm14 =	veq.f32 v55, v10;
	vm11 =	vlt.s32 v13, v58  }
0xa2: {  	s28 =	sor.u32 $0xE0, s23;
	v60 =	vnsel vm14, $0x40000000, v29;
	v13 =	vsel vm11, v13, v58  }
0xa3: {  	v61 =	vor.u32 s28, v1;
	vm11 =	veq.f32 v57, v10;
	vm12 =	vlt.s32 v13, v60  }
0xa4: {  	s23 =	sor.u32 $0xF0, s23;
	[tilespmem:$0x1FFF0] =	vst v15;
	v62 =	vnsel vm11, $0x40000000, v61;
	v13 =	vsel vm12, v13, v60  }
0xa5: {  	v63 =	vor.u32 s23, v1;
	v32 =	vld [tilespmem:$0x1FFF0];
	vm12 =	veq.f32 v59, v10;
	vm0 =	vlt.s32 v13, v62  }
0xa6: {  	v31 =	vnsel vm12, $0x40000000, v63;
	v13 =	vsel vm0, v13, v62  }
0xa7: {  	vm0 =	vlt.s32 v13, v31  }
0xa8: {  	v13 =	vsel vm0, v13, v31  }
0xa9: {  	v12 =	vsel vm1, $0xFF800000, v36;
	v13 =	vxor.u32 $0x80000000, v13  }
0xaa: {  	v11 =	vmax.f32 v11, v12;
	vm0 =	vnez.u8 v32;
	(xrf0) =	vmin.scan.msk.u32 $0xffff, v13  }
0xab: {  	v11 =	vsel vm0, v12, v11  }
0xac: {  	v12 =	vmax.f32 v11, v14  }
0xad: {  	v11 =	vsel vm2, v11, v12  }
0xae: {  	v12 =	vmax.f32 v11, v37  }
0xaf: {  	v11 =	vsel vm3, v11, v12  }
0xb0: {  	v12 =	vmax.f32 v11, v17;
	v33, _, _ =	vpop (xrf0)  }
0xb1: {  	v11 =	vsel vm4, v11, v12;
	(v2sf) =	vpush v33, $0xF  }
0xb2: {  	v34 =	vmax.f32 v11, v39  }
0xb3: {  	v11 =	vsel vm5, v11, v34  }
0xb4: {  	v36 =	vsel vm1, $0x1, v3;
	v12 =	vmax.f32 v11, v41  }
0xb5: {  	v38 =	vsel vm2, $0x1, v3;
	v35 =	vsel vm0, $0x1, v3;
	v11 =	vsel vm6, v11, v12  }
0xb6: {  	v40 =	vsel vm4, $0x1, v3;
	v12 =	vadd.s32 v35, v36;
	v37 =	vmax.f32 v11, v43  }
0xb7: {  	v39 =	vsel vm3, $0x1, v3;
	v12 =	vadd.s32 v38, v12;
	v11 =	vsel vm7, v11, v37  }
0xb8: {  	v42 =	vsel vm6, $0x1, v3;
	v12 =	vadd.s32 v39, v12;
	v14 =	vmax.f32 v11, v45  }
0xb9: {  	v41 =	vsel vm5, $0x1, v3;
	v12 =	vadd.s32 v40, v12;
	v11 =	vsel vm8, v11, v14  }
0xba: {  	v44 =	vsel vm8, $0x1, v3;
	v12 =	vadd.s32 v41, v12;
	v14 =	vmax.f32 v11, v47  }
0xbb: {  	v43 =	vsel vm7, $0x1, v3;
	v12 =	vadd.s32 v42, v12;
	v11 =	vsel vm9, v11, v14  }
0xbc: {  	v48 =	vsel vm15, $0x1, v3;
	v12 =	vadd.s32 v43, v12;
	v14 =	vmax.f32 v11, v49  }
0xbd: {  	v45 =	vsel vm9, $0x1, v3;
	v12 =	vadd.s32 v44, v12;
	v11 =	vsel vm10, v11, v14  }
0xbe: {  	v46 =	vsel vm10, $0x1, v3;
	v12 =	vadd.s32 v45, v12;
	v14 =	vmax.f32 v11, v51  }
0xbf: {  	v47 =	vsel vm13, $0x1, v3;
	v12 =	vadd.s32 v46, v12;
	v11 =	vsel vm13, v11, v14  }
0xc0: {  	v50 =	vsel vm11, $0x1, v3;
	v12 =	vadd.s32 v47, v12;
	v14 =	vmax.f32 v11, v53;
	s29 =	spop (v2sf)  }
0xc1: {  	v49 =	vsel vm14, $0x1, v3;
	v12 =	vadd.s32 v48, v12;
	v11 =	vsel vm15, v11, v14;
	s30 =	sxor.u32 $0x80000000, s29  }
0xc2: {  	v54 =	vsel vm12, $0x1, v3;
	v12 =	vadd.s32 v49, v12;
	v14 =	vmax.f32 v11, v55;
	s23 =	sand.u32 $0xF, s29;
	s25 =	sadd.s32 s16, s30  }
0xc3: {  	v11 =	vsel vm14, v11, v14;
	v52 =	vmov s23;
	v51 =	vmov s25  }
0xc4: {  	v12 =	vadd.s32 v50, v12;
	v53 =	vmax.f32 v11, v57;
	vm10 =	veq.s32 v52, v1  }
0xc5: {  	v12 =	vadd.s32 v54, v12;
	v11 =	vsel vm11, v11, v53;
	v55 =	vsel vm10, $0xFFFFFFFF, v3  }
0xc6: {  	s22 =	sshll.u32 s22, $0x6;
	v15 =	vmax.f32 v11, v59;
	v12 =	vadd.s32 v55, v12  }
0xc7: {  	s22 =	sshra.s32 s22, $0x2;
	v11 =	vsel vm12, v11, v15;
	vm13 =	vgt.s32 v12, $0x0  }
0xc8: {  	s21 =	sadd.s32 s22, s21;
	v11 =	vsel vm13, v10, v11;
	[tilespmem:v51+s2+$0x0] =	vst.idx.msk $0x1, v4  }
0xc9: {  	[tilespmem:s21+$0x0] =	vst v11  }
0xca: {  	v11 =	vld [tilespmem:s20+$0x18000]  }
0xcb: {  	v56 =	vld [tilespmem:s20+$0x18010]  }
0xcc: {  	v13 =	vld [tilespmem:s20+$0x18020]  }
0xcd: {  	v57 =	vld [tilespmem:s20+$0x18030]  }
0xce: {  	v58 =	vld [tilespmem:s20+$0x18040]  }
0xcf: {  	v59 =	vld [tilespmem:s20+$0x18050]  }
0xd0: {  	v60 =	vld [tilespmem:s20+$0x18060];
	v11 =	vmax.f32 v11, v56  }
0xd1: {  	v61 =	vld [tilespmem:s20+$0x18070];
	v11 =	vmax.f32 v11, v13  }
0xd2: {  	v11 =	vmax.f32 v11, v57  }
0xd3: {  	v11 =	vmax.f32 v11, v58  }
0xd4: {  	v11 =	vmax.f32 v11, v59  }
0xd5: {  	v11 =	vmax.f32 v11, v60  }
0xd6: {  	v11 =	vmax.f32 v11, v61  }
0xd7: {  	(xrf0) =	vmax.scan.msk.f32 $0xffff, v11;
	_ =	sdelay $0x2  }
0xd8: {  	v62 =	vmov s18;
	s18 =	sadd.s32 $0x1, s18  }
0xd9: {  	p1 =	sne.s32 s18, $0x8  }
.Ltmp4:
0xda: {  	_ = 	snop;
	(pc) =	sbr.rel @p1 .LBB2_9-.Ltmp4, $4  }
0xdb: {  	s31 =	sxor.u32 $0x80000000, s19;
	v11, _, _ =	vpop (xrf0)  }
0xdc: {  	v63 =	vmov s31;
	v11 =	vbroadcast v11, $0xF  }
0xdd: {  	vm15 =	veq.s32 v62, v1;
	vm14 =	veq.s32 v63, v1  }
0xde: {  	v8 =	vsel vm15, v10, v8;
	v7 =	vsel vm15, s30, v7;
	v6 =	vsel vm14, v11, v6  }
0xdf: {  	v6 =	vand.u32 $0x7FFFFFFF, v8;
	vm0 =	vmmov $0xff  }
0xe0: {  	v6 =	vnsel vm0, $0x0, v6  }
0xe1: {  	(xrf2) =	vadd.scan.msk.f32 $0xffff, v6;
	_ =	sdelay $0x9  }
0xe2: {  	v6, _, _ =	vpop (xrf2)  }
0xe3: {  	v6 =	vmax.f32 v6, $9.999999960e-13  }
0xe4: {  	v6 =	vbroadcast v6, $0xF;
	_ =	sdelay $0x1  }
0xe5: {  	(erf) = vrcp.f32 v6;
	_ =	sdelay $0x7  }
0xe6: {  	p1 =	seq.s32 s14, $0x0  }
0xe7: {  	s16 =	simm.s32 @!p1 $0x2;
	v6 =	vpop (erf)  }
0xe8: {  	_ =	swait.ge @!p1 [sflag:s16], $0x8000  }
0xe9: {  	[sflag:s16] =	ssyncset.done @!p1 $0x0  }
0xea: {  	s14 =	sadd.s32 $0x1, s14;
	v9 =	vimm.f32 @!p1 $0.0e+00;
	[sflag:s16] =	ssyncadd.s32 @!p1 $0xFFFF8000;
	s16 =	simm.s32 @!p1 $0x10000  }
0xeb: {  	[tilespmem:v5+s16+$0x0] =	vst.idx.msk @!p1 $0xff, v9;
	p1 =	sne.s32 s14, $0x4  }
.Ltmp5:
0xec: {  	_ = 	snop;
	(pc) =	sbr.rel @p1 .LBB2_4-.Ltmp5, $3  }
0xed: {  	v6 =	vmul.f32 v6, v8;
	_ =	sdelay $0x1  }
0xee: {  	s15 =	sadd.s32 s15, s6;
	p0 =	por !p0, !p0;
	[tilespmem:v7+s11+$0x0] =	vst.idx.msk $0xff, v6  }
0xef: {  	v5 =	vmov v7;
	[hbm4b:s15+s8] =	stream.strided.scatter [tilespmem:s11], [sflag:$0x2], $0x8000, s9, s8, $0x38;
	[tilespmem:$0x18800] =	vst v63  }
0xf0: {  	s13 =	sadd.s32 $0x1, s13  }
0xf1: {  	p0 =	sne.s32 s13, s7  }
.Ltmp6:
0xf2: {  	_ = 	snop;
	(pc) =	sbr.rel @p0 .LBB2_1-.Ltmp6, $4  }
0xf3: {  	_ = 	snop  }
0xf4: {  	_ =	swait.ge [sflag:s12], $0x8000  }
0xf5: {  	[sflag:s12] =	ssyncset.done $0x0  }
0xf6: {  	[sflag:s12] =	ssyncadd.s32 $0xFFFF8000  }
0xf7: {  	_ =	sfence.sel $0x180000  }
0xf8: {  	[bflag:$0x0] =	sbarrier.arrive $0xFFFF  }
0xf9: {  	p0 =	sne.s32 s3, $0x0;
	_ =	strace $0x90000047  }
0xfa: {  	s0 =	sadd.s32 @!p0 $0x100000, s0;
	[bflag:$0x2] =	sbarrier.arrive $0xFFFF  }
0xfb: {  	[sflag:s0] =	ssyncadd.tile.s32 @!p0 $0x1;
	_ =	shalt  }
.Lfunc_end2:
_tile_overlayer_lowered:
.L_overlay_start_2:
0xfc: {  	(tag) =	ssettag $0x2  }
0xfd: {  	s0 =	rddreg [dreg:$0x0];
	s2 =	stileid.u32  }
0xfe: {  	s1 =	rddreg [dreg:$0x1];
	p0 =	sne.s32 s2, $0x0  }
0xff: {  	s3 =	rddreg [dreg:$0x2];
	[bflag:$0x3] =	sbarrier.arrive $0xFFFF;
	s2 =	simm.s32 @!p0 $0x1C03  }
0x100: {  	[timem:s3], [sflag:s2] =	dma.local @!p0 [hbm:s0], s1  }
0x101: {  	s0 =	simm.s32 @!p0 $0x3  }
0x102: {  	_ =	swait.ge @!p0 [sflag:s0], s1  }
0x103: {  	s1 =	ssub.s32 @!p0 $0x0, s1;
	[sflag:s0] =	ssyncset.done @!p0 $0x0  }
0x104: {  	[sflag:s0] =	ssyncadd.s32 @!p0 s1  }
0x105: {  	[bflag:$0x3] =	sbarrier.arrive $0xFFFF  }
0x106: {  	_ =	shalt  }

</sc_bundles>
